<compile_context>
chip_gen: v7x
topology: tpu7x:2x2x1
jax: 0.10.2.dev20260603
libtpu: 0.0.44.dev20260713+nightly
codegen_flags: <defaults>
</compile_context>

<pallas_src>
import functools

import jax
import jax.numpy as jnp
from jax import lax
from jax.experimental import pallas as pl
from jax.experimental.pallas import tpu as pltpu
from jax.experimental.pallas import tpu_sc as plsc

_N = 10000
_E = 320000
_IN = 128
_HID = 64
_OUT = 64

_NC = 2
_NS = 16
_L = 16
_CHUNK = 128
_NCHUNK = 2560
_EPAD = _NCHUNK * _CHUNK
_CPT = _NCHUNK // (_NC * _NS)
_NPAD = 10112
_RPT = _NPAD // _NS
_RSTAGE = _NPAD // _NS

_ROWBLK = 632


def _mesh():
    return plsc.VectorSubcoreMesh(core_axis_name="c", subcore_axis_name="s")



def _deg_body(dst_hbm, out_hbm, dst_v, ones_v, zeros_v, acc):
    c = lax.axis_index("c")
    s = lax.axis_index("s")
    wid = c * _NS + s

    @pl.loop(0, _CHUNK)
    def _fill(i):
        ones_v[i, pl.ds(0, _L)] = jnp.ones((_L,), jnp.float32)
        zeros_v[i, pl.ds(0, _L)] = jnp.zeros((_L,), jnp.float32)

    row0 = s * _RPT
    nfull = _RPT // _CHUNK
    for b in range(nfull):
        pltpu.sync_copy(zeros_v, acc.at[pl.ds(row0 + b * _CHUNK, _CHUNK)])
    rem = _RPT - nfull * _CHUNK
    pltpu.sync_copy(zeros_v.at[pl.ds(0, rem)],
                    acc.at[pl.ds(row0 + nfull * _CHUNK, rem)])

    pltpu.sync_copy(dst_hbm.at[pl.ds(wid * _CPT, _CPT)], dst_v)
    plsc.subcore_barrier()

    @pl.loop(0, _CPT)
    def _accum(k):
        pltpu.sync_copy(ones_v, acc.at[dst_v.at[k]], add=True)

    plsc.subcore_barrier()
    pltpu.sync_copy(acc.at[pl.ds(row0, _RPT)],
                    out_hbm.at[c, pl.ds(row0, _RPT)])


def _sc_degree(dst2d):
    kfn = functools.partial(
        pl.kernel,
        compiler_params=pltpu.CompilerParams(use_tc_tiling_on_sc=False),
        out_type=jax.ShapeDtypeStruct((_NC, _NPAD, _L), jnp.float32),
        mesh=_mesh(),
        scratch_types=[
            pltpu.VMEM((_CPT, _CHUNK), jnp.int32),
            pltpu.VMEM((_CHUNK, _L), jnp.float32),
            pltpu.VMEM((_CHUNK, _L), jnp.float32),
            pltpu.VMEM_SHARED((_NPAD, _L), jnp.float32),
        ],
    )(_deg_body)
    return kfn(dst2d)


_NBUF = 2


def _gs_body(g_hbm, src_hbm, dst_hbm, out_hbm, src_v, dst_v,
             r0, r1, gs0, gs1, ss0, ss1, zb, g_s, acc):
    rows = (r0, r1)
    gsem = (gs0, gs1)
    ssem = (ss0, ss1)
    c = lax.axis_index("c")
    s = lax.axis_index("s")
    wid = c * _NS + s
    row0 = s * _RPT
    gr0 = s * _RSTAGE

    pltpu.sync_copy(src_hbm.at[pl.ds(wid * _CPT, _CPT)], src_v)
    pltpu.sync_copy(dst_hbm.at[pl.ds(wid * _CPT, _CPT)], dst_v)

    @pl.loop(0, _CHUNK)
    def _fill(i):
        for j in range(_HID // _L):
            zb[i, pl.ds(j * _L, _L)] = jnp.zeros((_L,), jnp.float32)

    nfull = _RPT // _CHUNK
    for b in range(nfull):
        pltpu.sync_copy(zb, acc.at[pl.ds(row0 + b * _CHUNK, _CHUNK)])
    rem = _RPT - nfull * _CHUNK
    pltpu.sync_copy(zb.at[pl.ds(0, rem)],
                    acc.at[pl.ds(row0 + nfull * _CHUNK, rem)])

    pltpu.sync_copy(g_hbm.at[pl.ds(gr0, _RSTAGE)],
                    g_s.at[pl.ds(gr0, _RSTAGE)])
    plsc.subcore_barrier()

    for b in range(_NBUF):
        pltpu.async_copy(g_s.at[src_v.at[b]], rows[b], gsem[b])

    @pl.loop(0, _CPT, step=_NBUF)
    def _edges(k):
        for b in range(_NBUF):
            pltpu.make_async_copy(
                g_s.at[src_v.at[k + b]], rows[b], gsem[b]).wait()
            pltpu.async_copy(rows[b], acc.at[dst_v.at[k + b]], ssem[b],
                             add=True)
        for b in range(_NBUF):
            pltpu.make_async_copy(
                rows[b], acc.at[dst_v.at[k + b]], ssem[b]).wait()

            @pl.when(k + _NBUF + b < _CPT)
            def _prefetch(b=b):
                pltpu.async_copy(
                    g_s.at[src_v.at[k + _NBUF + b]], rows[b], gsem[b])

    plsc.subcore_barrier()
    pltpu.sync_copy(acc.at[pl.ds(row0, _RPT)],
                    out_hbm.at[c, pl.ds(row0, _RPT)])


def _sc_gather_scatter(g, src2d, dst2d):
    kfn = functools.partial(
        pl.kernel,
        compiler_params=pltpu.CompilerParams(use_tc_tiling_on_sc=False),
        out_type=jax.ShapeDtypeStruct((_NC, _NPAD, _HID), jnp.float32),
        mesh=_mesh(),
        scratch_types=[
            pltpu.VMEM((_CPT, _CHUNK), jnp.int32),
            pltpu.VMEM((_CPT, _CHUNK), jnp.int32),
        ] + [pltpu.VMEM((_CHUNK, _HID), jnp.float32)] * _NBUF
          + [pltpu.SemaphoreType.DMA] * (2 * _NBUF)
          + [pltpu.VMEM((_CHUNK, _HID), jnp.float32)]
          + [pltpu.VMEM_SHARED((_NPAD, _HID), jnp.float32)] * 2,
    )(_gs_body)
    return kfn(g, src2d, dst2d)



def _dinv_block(d_ref):
    deg = d_ref[0, :, 0:1] + d_ref[1, :, 0:1] + 1.0
    return lax.rsqrt(deg)


def _tc_matmul_scale(x, degp, W1):
    def body(x_ref, d_ref, w_ref, g_ref):
        dinv = _dinv_block(d_ref)
        g_ref[...] = lax.dot_general(
            x_ref[...] * dinv, w_ref[...], (((1,), (0,)), ((), ())),
            preferred_element_type=jnp.float32,
            precision=lax.Precision.HIGHEST)

    return pl.pallas_call(
        body,
        grid=(_NPAD // _ROWBLK,),
        in_specs=[pl.BlockSpec((_ROWBLK, _IN), lambda i: (i, 0)),
                  pl.BlockSpec((_NC, _ROWBLK, _L), lambda i: (0, i, 0)),
                  pl.BlockSpec((_IN, _HID), lambda i: (0, 0))],
        out_specs=pl.BlockSpec((_ROWBLK, _HID), lambda i: (i, 0)),
        out_shape=jax.ShapeDtypeStruct((_NPAD, _HID), jnp.float32),
    )(x, degp, W1)


def _tc_combine1(tp, g, degp, b1, W2):
    def body(t_ref, g_ref, d_ref, b_ref, w_ref, o_ref):
        dinv = _dinv_block(d_ref)
        t = t_ref[0] + t_ref[1] + g_ref[...]
        z = jnp.maximum(t * dinv + b_ref[...], 0.0)
        h2 = lax.dot_general(
            z, w_ref[...], (((1,), (0,)), ((), ())),
            preferred_element_type=jnp.float32,
            precision=lax.Precision.HIGHEST)
        o_ref[...] = h2 * dinv

    return pl.pallas_call(
        body,
        grid=(_NPAD // _ROWBLK,),
        in_specs=[pl.BlockSpec((_NC, _ROWBLK, _HID), lambda i: (0, i, 0)),
                  pl.BlockSpec((_ROWBLK, _HID), lambda i: (i, 0)),
                  pl.BlockSpec((_NC, _ROWBLK, _L), lambda i: (0, i, 0)),
                  pl.BlockSpec((1, _HID), lambda i: (0, 0)),
                  pl.BlockSpec((_HID, _HID), lambda i: (0, 0))],
        out_specs=pl.BlockSpec((_ROWBLK, _HID), lambda i: (i, 0)),
        out_shape=jax.ShapeDtypeStruct((_NPAD, _HID), jnp.float32),
    )(tp, g, degp, b1, W2)


_FBLK = 2000


def _tc_final(tp, g, degp, b2):
    def body(t_ref, g_ref, d_ref, b_ref, o_ref):
        dinv = _dinv_block(d_ref)
        t = t_ref[0] + t_ref[1] + g_ref[...]
        z = t * dinv + b_ref[...]
        m = jnp.max(z, axis=1, keepdims=True)
        lse = jnp.log(jnp.sum(jnp.exp(z - m), axis=1, keepdims=True)) + m
        o_ref[...] = z - lse

    return pl.pallas_call(
        body,
        grid=(_N // _FBLK,),
        in_specs=[pl.BlockSpec((_NC, _FBLK, _HID), lambda i: (0, i, 0)),
                  pl.BlockSpec((_FBLK, _HID), lambda i: (i, 0)),
                  pl.BlockSpec((_NC, _FBLK, _L), lambda i: (0, i, 0)),
                  pl.BlockSpec((1, _OUT), lambda i: (0, 0))],
        out_specs=pl.BlockSpec((_FBLK, _OUT), lambda i: (i, 0)),
        out_shape=jax.ShapeDtypeStruct((_N, _OUT), jnp.float32),
    )(tp, g, degp, b2)



def kernel(x, edge_index, W1, b1, W2, b2):
    src = edge_index[0].astype(jnp.int32)
    dst = edge_index[1].astype(jnp.int32)
    pad = _EPAD - _E
    src2d = jnp.concatenate(
        [src, jnp.zeros((pad,), jnp.int32)]).reshape(_NCHUNK, _CHUNK)
    dst2d = jnp.concatenate(
        [dst, jnp.full((pad,), _N, jnp.int32)]).reshape(_NCHUNK, _CHUNK)

    degp = _sc_degree(dst2d)
    gh1 = _tc_matmul_scale(x, degp, W1)
    t1 = _sc_gather_scatter(gh1, src2d, dst2d)
    gh2 = _tc_combine1(t1, gh1, degp, b1.reshape(1, _HID), W2)
    t2 = _sc_gather_scatter(gh2, src2d, dst2d)
    return _tc_final(t2, gh2, degp, b2.reshape(1, _OUT))

# --- scband reference (transcript-rebuilt; emitter-appended) ---
"""Pipeline reference for scband-gcn1-42279658062572 (READ-ONLY COPY).

The authoritative reference and input builder live on the scoring server;
editing this copy changes nothing except your own understanding.
"""

import jax, jax.numpy as jnp
import numpy as np

N_NODES = 10000
N_EDGES = 320000
IN_CH = 128
HID_CH = 64
OUT_CH = 64

def setup_inputs(seed: int = 0) -> dict:
    key = jax.random.key(seed)
    k1, k2, k3, k4, k5, k6 = jax.random.split(key, 6)
    x = jax.random.normal(k1, (N_NODES, IN_CH), dtype=jnp.float32)
    edge_index = jax.random.randint(k2, (2, N_EDGES), 0, N_NODES, dtype=jnp.int64)
    # GCNConv params (glorot-style init)
    W1 = jax.random.normal(k3, (IN_CH, HID_CH), dtype=jnp.float32) * (1.0 / np.sqrt(IN_CH))
    b1 = jnp.zeros((HID_CH,), dtype=jnp.float32)
    W2 = jax.random.normal(k4, (HID_CH, OUT_CH), dtype=jnp.float32) * (1.0 / np.sqrt(HID_CH))
    b2 = jnp.zeros((OUT_CH,), dtype=jnp.float32)
    return {"x": x, "edge_index": edge_index, "W1": W1, "b1": b1, "W2": W2, "b2": b2}

def _gcn_conv(x, src, dst, W, b):
    # Faithful torch_geometric GCNConv: linear transform, then symmetric-normalized
    # aggregation with self-loops, then bias.
    n = x.shape[0]
    loop = jnp.arange(n, dtype=src.dtype)
    s = jnp.concatenate([src, loop])
    d = jnp.concatenate([dst, loop])
    deg = jnp.zeros((n,), dtype=jnp.float32).at[d].add(1.0)
    dinv = jnp.where(deg > 0, jax.lax.rsqrt(deg), 0.0)
    norm = dinv[s] * dinv[d]
    h = x @ W
    msg = h[s] * norm[:, None]
    out = jnp.zeros((n, W.shape[1]), dtype=jnp.float32).at[d].add(msg)
    return out + b

def reference(x, edge_index, W1, b1, W2, b2):
    src = edge_index[0]
    dst = edge_index[1]
    h = _gcn_conv(x, src, dst, W1, b1)
    h = jax.nn.relu(h)
    # dropout p=0.5 is identity in eval mode (training=False)
    h = _gcn_conv(h, src, dst, W2, b2)
    return jax.nn.log_softmax(h, axis=1)

if __name__ == "__main__":
    import jax
    _d = setup_inputs()
    print(jax.jit(kernel)(*tuple(_d.values())))

</pallas_src>

<mosaic_0001>
#map = affine_map<(d0, d1) -> (0, 0)>
#map1 = affine_map<(d0, d1) -> (0, 0, 0)>
module attributes {stable_mosaic.version = 14 : i64} {
  func.func @_gs_body(%arg0: i32, %arg1: i32, %arg2: memref<10112x64xf32, #tpu.memory_space<hbm>>, %arg3: memref<2560x128xi32, #tpu.memory_space<hbm>>, %arg4: memref<2560x128xi32, #tpu.memory_space<hbm>>, %arg5: memref<2x10112x64xf32, #tpu.memory_space<hbm>>, %arg6: memref<80x128xi32, #tpu.memory_space<vmem>>, %arg7: memref<80x128xi32, #tpu.memory_space<vmem>>, %arg8: memref<128x64xf32, #tpu.memory_space<vmem>>, %arg9: memref<128x64xf32, #tpu.memory_space<vmem>>, %arg10: memref<!tpu.dma_semaphore, #tpu.memory_space<semaphore_mem>>, %arg11: memref<!tpu.dma_semaphore, #tpu.memory_space<semaphore_mem>>, %arg12: memref<!tpu.dma_semaphore, #tpu.memory_space<semaphore_mem>>, %arg13: memref<!tpu.dma_semaphore, #tpu.memory_space<semaphore_mem>>, %arg14: memref<128x64xf32, #tpu.memory_space<vmem>>, %arg15: memref<10112x64xf32, #tpu.memory_space<vmem_shared>>, %arg16: memref<10112x64xf32, #tpu.memory_space<vmem_shared>>) attributes {dimension_semantics = [#tpu.dimension_semantics<core_parallel>, #tpu.dimension_semantics<subcore_parallel>], iteration_bounds = array<i64: 2, 16>, scalar_prefetch = 0 : i64, scratch_operands = 11 : i64, tpu.core_type = #tpu.core_type<sc_vector_subcore>, window_params = [{transform_indices = #map}, {transform_indices = #map}, {transform_indices = #map}, {transform_indices = #map1}]} {
    %mul3A = arith.constant 16 : i32
    %mul3A_0 = arith.muli %arg0, %mul3A : i32
    %add3A = arith.addi %mul3A_0, %arg1 : i32
    %mul3A_1 = arith.constant 632 : i32
    %mul3A_2 = arith.muli %arg1, %mul3A_1 : i32
    %mul3A_3 = arith.constant 632 : i32
    %mul3A_4 = arith.muli %arg1, %mul3A_3 : i32
    %mul3A_5 = arith.constant 80 : i32
    %mul3A_6 = arith.muli %add3A, %mul3A_5 : i32
    "tpu.region"() ({
      %run_scoped3A = tpu.sem_alloc : memref<!tpu.dma_semaphore, #tpu.memory_space<semaphore_mem>>
      %dma_start3A_42 = arith.constant 0 : i32
      %dma_start3A_43 = tpu.memref_slice %arg3[%mul3A_6, %dma_start3A_42] : memref<2560x128xi32, #tpu.memory_space<hbm>> -> memref<80x128xi32, #tpu.memory_space<hbm>>
      %dma_start3A_44 = arith.constant 0 : i32
      %dma_start3A_45 = tpu.memref_slice %arg3[%mul3A_6, %dma_start3A_44] : memref<2560x128xi32, #tpu.memory_space<hbm>> -> memref<80x128xi32, #tpu.memory_space<hbm>>
      tpu.enqueue_dma source(%dma_start3A_45 : memref<80x128xi32, #tpu.memory_space<hbm>>) target(%arg6 : memref<80x128xi32, #tpu.memory_space<vmem>>) target_semaphore(%run_scoped3A : memref<!tpu.dma_semaphore, #tpu.memory_space<semaphore_mem>>)
      %dma_wait3A = arith.constant 0 : i32
      %dma_wait3A_46 = tpu.memref_slice %arg3[%mul3A_6, %dma_wait3A] : memref<2560x128xi32, #tpu.memory_space<hbm>> -> memref<80x128xi32, #tpu.memory_space<hbm>>
      %dma_wait3A_47 = arith.constant 0 : i32
      %dma_wait3A_48 = tpu.memref_slice %arg3[%mul3A_6, %dma_wait3A_47] : memref<2560x128xi32, #tpu.memory_space<hbm>> -> memref<80x128xi32, #tpu.memory_space<hbm>>
      tpu.wait_dma2 semaphore(%run_scoped3A : memref<!tpu.dma_semaphore, #tpu.memory_space<semaphore_mem>>) src(%dma_wait3A_48 : memref<80x128xi32, #tpu.memory_space<hbm>>) dst(%arg6 : memref<80x128xi32, #tpu.memory_space<vmem>>)
      tpu.yield
    }) : () -> ()
    %mul3A_7 = arith.constant 80 : i32
    %mul3A_8 = arith.muli %add3A, %mul3A_7 : i32
    "tpu.region"() ({
      %run_scoped3A = tpu.sem_alloc : memref<!tpu.dma_semaphore, #tpu.memory_space<semaphore_mem>>
      %dma_start3A_42 = arith.constant 0 : i32
      %dma_start3A_43 = tpu.memref_slice %arg4[%mul3A_8, %dma_start3A_42] : memref<2560x128xi32, #tpu.memory_space<hbm>> -> memref<80x128xi32, #tpu.memory_space<hbm>>
      %dma_start3A_44 = arith.constant 0 : i32
      %dma_start3A_45 = tpu.memref_slice %arg4[%mul3A_8, %dma_start3A_44] : memref<2560x128xi32, #tpu.memory_space<hbm>> -> memref<80x128xi32, #tpu.memory_space<hbm>>
      tpu.enqueue_dma source(%dma_start3A_45 : memref<80x128xi32, #tpu.memory_space<hbm>>) target(%arg7 : memref<80x128xi32, #tpu.memory_space<vmem>>) target_semaphore(%run_scoped3A : memref<!tpu.dma_semaphore, #tpu.memory_space<semaphore_mem>>)
      %dma_wait3A = arith.constant 0 : i32
      %dma_wait3A_46 = tpu.memref_slice %arg4[%mul3A_8, %dma_wait3A] : memref<2560x128xi32, #tpu.memory_space<hbm>> -> memref<80x128xi32, #tpu.memory_space<hbm>>
      %dma_wait3A_47 = arith.constant 0 : i32
      %dma_wait3A_48 = tpu.memref_slice %arg4[%mul3A_8, %dma_wait3A_47] : memref<2560x128xi32, #tpu.memory_space<hbm>> -> memref<80x128xi32, #tpu.memory_space<hbm>>
      tpu.wait_dma2 semaphore(%run_scoped3A : memref<!tpu.dma_semaphore, #tpu.memory_space<semaphore_mem>>) src(%dma_wait3A_48 : memref<80x128xi32, #tpu.memory_space<hbm>>) dst(%arg7 : memref<80x128xi32, #tpu.memory_space<vmem>>)
      tpu.yield
    }) : () -> ()
    %scan3A = arith.constant 0 : i32
    %scan3A_9 = arith.constant 128 : i32
    %scan3A_10 = arith.addi %scan3A, %scan3A_9 : i32
    %scan3A_11 = arith.constant 1 : i32
    scf.for %scan3A_42 = %scan3A to %scan3A_10 step %scan3A_11  : i32 {
      %mul3A_43 = arith.constant 1 : i32
      %mul3A_44 = arith.muli %scan3A_42, %mul3A_43 : i32
      %add3A_45 = arith.constant 0 : i32
      %add3A_46 = arith.addi %add3A_45, %mul3A_44 : i32
      %broadcast_in_dim3A = arith.constant 0.000000e+00 : f32
      %broadcast_in_dim3A_47 = vector.broadcast %broadcast_in_dim3A : f32 to vector<16xf32>
      %swap3A = arith.index_cast %add3A_46 : i32 to index
      %swap3A_48 = arith.constant 0 : index
      %swap3A_49 = tpu.vector_load %arg14[%swap3A, %swap3A_48] {strides = array<i32>} : memref<128x64xf32, #tpu.memory_space<vmem>>, vector<1x16xf32>,
      %swap3A_50 = vector.shape_cast %swap3A_49 : vector<1x16xf32> to vector<16xf32>
      %swap3A_51 = vector.shape_cast %broadcast_in_dim3A_47 : vector<16xf32> to vector<1x16xf32>
      tpu.vector_store %arg14[%swap3A, %swap3A_48], %swap3A_51 {strides = array<i32>} : memref<128x64xf32, #tpu.memory_space<vmem>>, vector<1x16xf32>,
      %broadcast_in_dim3A_52 = arith.constant 0.000000e+00 : f32
      %broadcast_in_dim3A_53 = vector.broadcast %broadcast_in_dim3A_52 : f32 to vector<16xf32>
      %swap3A_54 = arith.index_cast %add3A_46 : i32 to index
      %swap3A_55 = arith.constant 16 : index
      %swap3A_56 = tpu.vector_load %arg14[%swap3A_54, %swap3A_55] {strides = array<i32>} : memref<128x64xf32, #tpu.memory_space<vmem>>, vector<1x16xf32>,
      %swap3A_57 = vector.shape_cast %swap3A_56 : vector<1x16xf32> to vector<16xf32>
      %swap3A_58 = vector.shape_cast %broadcast_in_dim3A_53 : vector<16xf32> to vector<1x16xf32>
      tpu.vector_store %arg14[%swap3A_54, %swap3A_55], %swap3A_58 {strides = array<i32>} : memref<128x64xf32, #tpu.memory_space<vmem>>, vector<1x16xf32>,
      %broadcast_in_dim3A_59 = arith.constant 0.000000e+00 : f32
      %broadcast_in_dim3A_60 = vector.broadcast %broadcast_in_dim3A_59 : f32 to vector<16xf32>
      %swap3A_61 = arith.index_cast %add3A_46 : i32 to index
      %swap3A_62 = arith.constant 32 : index
      %swap3A_63 = tpu.vector_load %arg14[%swap3A_61, %swap3A_62] {strides = array<i32>} : memref<128x64xf32, #tpu.memory_space<vmem>>, vector<1x16xf32>,
      %swap3A_64 = vector.shape_cast %swap3A_63 : vector<1x16xf32> to vector<16xf32>
      %swap3A_65 = vector.shape_cast %broadcast_in_dim3A_60 : vector<16xf32> to vector<1x16xf32>
      tpu.vector_store %arg14[%swap3A_61, %swap3A_62], %swap3A_65 {strides = array<i32>} : memref<128x64xf32, #tpu.memory_space<vmem>>, vector<1x16xf32>,
      %broadcast_in_dim3A_66 = arith.constant 0.000000e+00 : f32
      %broadcast_in_dim3A_67 = vector.broadcast %broadcast_in_dim3A_66 : f32 to vector<16xf32>
      %swap3A_68 = arith.index_cast %add3A_46 : i32 to index
      %swap3A_69 = arith.constant 48 : index
      %swap3A_70 = tpu.vector_load %arg14[%swap3A_68, %swap3A_69] {strides = array<i32>} : memref<128x64xf32, #tpu.memory_space<vmem>>, vector<1x16xf32>,
      %swap3A_71 = vector.shape_cast %swap3A_70 : vector<1x16xf32> to vector<16xf32>
      %swap3A_72 = vector.shape_cast %broadcast_in_dim3A_67 : vector<16xf32> to vector<1x16xf32>
      tpu.vector_store %arg14[%swap3A_68, %swap3A_69], %swap3A_72 {strides = array<i32>} : memref<128x64xf32, #tpu.memory_space<vmem>>, vector<1x16xf32>,
    }
    %scan3A_12 = arith.constant 128 : i32
    %add3A_13 = arith.constant 0 : i32
    %add3A_14 = arith.addi %mul3A_2, %add3A_13 : i32
    "tpu.region"() ({
      %run_scoped3A = tpu.sem_alloc : memref<!tpu.dma_semaphore, #tpu.memory_space<semaphore_mem>>
      %dma_start3A_42 = arith.constant 0 : i32
      %dma_start3A_43 = tpu.memref_slice %arg16[%add3A_14, %dma_start3A_42] : memref<10112x64xf32, #tpu.memory_space<vmem_shared>> -> memref<128x64xf32, #tpu.memory_space<vmem_shared>>
      %dma_start3A_44 = arith.constant 0 : i32
      %dma_start3A_45 = tpu.memref_slice %arg16[%add3A_14, %dma_start3A_44] : memref<10112x64xf32, #tpu.memory_space<vmem_shared>> -> memref<128x64xf32, #tpu.memory_space<vmem_shared>>
      tpu.enqueue_dma source(%arg14 : memref<128x64xf32, #tpu.memory_space<vmem>>) target(%dma_start3A_45 : memref<128x64xf32, #tpu.memory_space<vmem_shared>>) target_semaphore(%run_scoped3A : memref<!tpu.dma_semaphore, #tpu.memory_space<semaphore_mem>>)
      %dma_wait3A = arith.constant 0 : i32
      %dma_wait3A_46 = tpu.memref_slice %arg16[%add3A_14, %dma_wait3A] : memref<10112x64xf32, #tpu.memory_space<vmem_shared>> -> memref<128x64xf32, #tpu.memory_space<vmem_shared>>
      %dma_wait3A_47 = arith.constant 0 : i32
      %dma_wait3A_48 = tpu.memref_slice %arg16[%add3A_14, %dma_wait3A_47] : memref<10112x64xf32, #tpu.memory_space<vmem_shared>> -> memref<128x64xf32, #tpu.memory_space<vmem_shared>>
      tpu.wait_dma2 semaphore(%run_scoped3A : memref<!tpu.dma_semaphore, #tpu.memory_space<semaphore_mem>>) src(%arg14 : memref<128x64xf32, #tpu.memory_space<vmem>>) dst(%dma_wait3A_48 : memref<128x64xf32, #tpu.memory_space<vmem_shared>>)
      tpu.yield
    }) : () -> ()
    %add3A_15 = arith.constant 128 : i32
    %add3A_16 = arith.addi %mul3A_2, %add3A_15 : i32
    "tpu.region"() ({
      %run_scoped3A = tpu.sem_alloc : memref<!tpu.dma_semaphore, #tpu.memory_space<semaphore_mem>>
      %dma_start3A_42 = arith.constant 0 : i32
      %dma_start3A_43 = tpu.memref_slice %arg16[%add3A_16, %dma_start3A_42] : memref<10112x64xf32, #tpu.memory_space<vmem_shared>> -> memref<128x64xf32, #tpu.memory_space<vmem_shared>>
      %dma_start3A_44 = arith.constant 0 : i32
      %dma_start3A_45 = tpu.memref_slice %arg16[%add3A_16, %dma_start3A_44] : memref<10112x64xf32, #tpu.memory_space<vmem_shared>> -> memref<128x64xf32, #tpu.memory_space<vmem_shared>>
      tpu.enqueue_dma source(%arg14 : memref<128x64xf32, #tpu.memory_space<vmem>>) target(%dma_start3A_45 : memref<128x64xf32, #tpu.memory_space<vmem_shared>>) target_semaphore(%run_scoped3A : memref<!tpu.dma_semaphore, #tpu.memory_space<semaphore_mem>>)
      %dma_wait3A = arith.constant 0 : i32
      %dma_wait3A_46 = tpu.memref_slice %arg16[%add3A_16, %dma_wait3A] : memref<10112x64xf32, #tpu.memory_space<vmem_shared>> -> memref<128x64xf32, #tpu.memory_space<vmem_shared>>
      %dma_wait3A_47 = arith.constant 0 : i32
      %dma_wait3A_48 = tpu.memref_slice %arg16[%add3A_16, %dma_wait3A_47] : memref<10112x64xf32, #tpu.memory_space<vmem_shared>> -> memref<128x64xf32, #tpu.memory_space<vmem_shared>>
      tpu.wait_dma2 semaphore(%run_scoped3A : memref<!tpu.dma_semaphore, #tpu.memory_space<semaphore_mem>>) src(%arg14 : memref<128x64xf32, #tpu.memory_space<vmem>>) dst(%dma_wait3A_48 : memref<128x64xf32, #tpu.memory_space<vmem_shared>>)
      tpu.yield
    }) : () -> ()
    %add3A_17 = arith.constant 256 : i32
    %add3A_18 = arith.addi %mul3A_2, %add3A_17 : i32
    "tpu.region"() ({
      %run_scoped3A = tpu.sem_alloc : memref<!tpu.dma_semaphore, #tpu.memory_space<semaphore_mem>>
      %dma_start3A_42 = arith.constant 0 : i32
      %dma_start3A_43 = tpu.memref_slice %arg16[%add3A_18, %dma_start3A_42] : memref<10112x64xf32, #tpu.memory_space<vmem_shared>> -> memref<128x64xf32, #tpu.memory_space<vmem_shared>>
      %dma_start3A_44 = arith.constant 0 : i32
      %dma_start3A_45 = tpu.memref_slice %arg16[%add3A_18, %dma_start3A_44] : memref<10112x64xf32, #tpu.memory_space<vmem_shared>> -> memref<128x64xf32, #tpu.memory_space<vmem_shared>>
      tpu.enqueue_dma source(%arg14 : memref<128x64xf32, #tpu.memory_space<vmem>>) target(%dma_start3A_45 : memref<128x64xf32, #tpu.memory_space<vmem_shared>>) target_semaphore(%run_scoped3A : memref<!tpu.dma_semaphore, #tpu.memory_space<semaphore_mem>>)
      %dma_wait3A = arith.constant 0 : i32
      %dma_wait3A_46 = tpu.memref_slice %arg16[%add3A_18, %dma_wait3A] : memref<10112x64xf32, #tpu.memory_space<vmem_shared>> -> memref<128x64xf32, #tpu.memory_space<vmem_shared>>
      %dma_wait3A_47 = arith.constant 0 : i32
      %dma_wait3A_48 = tpu.memref_slice %arg16[%add3A_18, %dma_wait3A_47] : memref<10112x64xf32, #tpu.memory_space<vmem_shared>> -> memref<128x64xf32, #tpu.memory_space<vmem_shared>>
      tpu.wait_dma2 semaphore(%run_scoped3A : memref<!tpu.dma_semaphore, #tpu.memory_space<semaphore_mem>>) src(%arg14 : memref<128x64xf32, #tpu.memory_space<vmem>>) dst(%dma_wait3A_48 : memref<128x64xf32, #tpu.memory_space<vmem_shared>>)
      tpu.yield
    }) : () -> ()
    %add3A_19 = arith.constant 384 : i32
    %add3A_20 = arith.addi %mul3A_2, %add3A_19 : i32
    "tpu.region"() ({
      %run_scoped3A = tpu.sem_alloc : memref<!tpu.dma_semaphore, #tpu.memory_space<semaphore_mem>>
      %dma_start3A_42 = arith.constant 0 : i32
      %dma_start3A_43 = tpu.memref_slice %arg16[%add3A_20, %dma_start3A_42] : memref<10112x64xf32, #tpu.memory_space<vmem_shared>> -> memref<128x64xf32, #tpu.memory_space<vmem_shared>>
      %dma_start3A_44 = arith.constant 0 : i32
      %dma_start3A_45 = tpu.memref_slice %arg16[%add3A_20, %dma_start3A_44] : memref<10112x64xf32, #tpu.memory_space<vmem_shared>> -> memref<128x64xf32, #tpu.memory_space<vmem_shared>>
      tpu.enqueue_dma source(%arg14 : memref<128x64xf32, #tpu.memory_space<vmem>>) target(%dma_start3A_45 : memref<128x64xf32, #tpu.memory_space<vmem_shared>>) target_semaphore(%run_scoped3A : memref<!tpu.dma_semaphore, #tpu.memory_space<semaphore_mem>>)
      %dma_wait3A = arith.constant 0 : i32
      %dma_wait3A_46 = tpu.memref_slice %arg16[%add3A_20, %dma_wait3A] : memref<10112x64xf32, #tpu.memory_space<vmem_shared>> -> memref<128x64xf32, #tpu.memory_space<vmem_shared>>
      %dma_wait3A_47 = arith.constant 0 : i32
      %dma_wait3A_48 = tpu.memref_slice %arg16[%add3A_20, %dma_wait3A_47] : memref<10112x64xf32, #tpu.memory_space<vmem_shared>> -> memref<128x64xf32, #tpu.memory_space<vmem_shared>>
      tpu.wait_dma2 semaphore(%run_scoped3A : memref<!tpu.dma_semaphore, #tpu.memory_space<semaphore_mem>>) src(%arg14 : memref<128x64xf32, #tpu.memory_space<vmem>>) dst(%dma_wait3A_48 : memref<128x64xf32, #tpu.memory_space<vmem_shared>>)
      tpu.yield
    }) : () -> ()
    %add3A_21 = arith.constant 512 : i32
    %add3A_22 = arith.addi %mul3A_2, %add3A_21 : i32
    "tpu.region"() ({
      %run_scoped3A = tpu.sem_alloc : memref<!tpu.dma_semaphore, #tpu.memory_space<semaphore_mem>>
      %dma_start3A_42 = arith.constant 0 : i32
      %dma_start3A_43 = arith.constant 0 : i32
      %dma_start3A_44 = tpu.memref_slice %arg14[%dma_start3A_42, %dma_start3A_43] : memref<128x64xf32, #tpu.memory_space<vmem>> -> memref<120x64xf32, #tpu.memory_space<vmem>>
      %dma_start3A_45 = arith.constant 0 : i32
      %dma_start3A_46 = tpu.memref_slice %arg16[%add3A_22, %dma_start3A_45] : memref<10112x64xf32, #tpu.memory_space<vmem_shared>> -> memref<120x64xf32, #tpu.memory_space<vmem_shared>>
      %dma_start3A_47 = arith.constant 0 : i32
      %dma_start3A_48 = tpu.memref_slice %arg16[%add3A_22, %dma_start3A_47] : memref<10112x64xf32, #tpu.memory_space<vmem_shared>> -> memref<120x64xf32, #tpu.memory_space<vmem_shared>>
      %dma_start3A_49 = arith.constant 0 : i32
      %dma_start3A_50 = arith.constant 0 : i32
      %dma_start3A_51 = tpu.memref_slice %arg14[%dma_start3A_49, %dma_start3A_50] : memref<128x64xf32, #tpu.memory_space<vmem>> -> memref<120x64xf32, #tpu.memory_space<vmem>>
      tpu.enqueue_dma source(%dma_start3A_51 : memref<120x64xf32, #tpu.memory_space<vmem>>) target(%dma_start3A_48 : memref<120x64xf32, #tpu.memory_space<vmem_shared>>) target_semaphore(%run_scoped3A : memref<!tpu.dma_semaphore, #tpu.memory_space<semaphore_mem>>)
      %dma_wait3A = arith.constant 0 : i32
      %dma_wait3A_52 = arith.constant 0 : i32
      %dma_wait3A_53 = tpu.memref_slice %arg14[%dma_wait3A, %dma_wait3A_52] : memref<128x64xf32, #tpu.memory_space<vmem>> -> memref<120x64xf32, #tpu.memory_space<vmem>>
      %dma_wait3A_54 = arith.constant 0 : i32
      %dma_wait3A_55 = tpu.memref_slice %arg16[%add3A_22, %dma_wait3A_54] : memref<10112x64xf32, #tpu.memory_space<vmem_shared>> -> memref<120x64xf32, #tpu.memory_space<vmem_shared>>
      %dma_wait3A_56 = arith.constant 0 : i32
      %dma_wait3A_57 = tpu.memref_slice %arg16[%add3A_22, %dma_wait3A_56] : memref<10112x64xf32, #tpu.memory_space<vmem_shared>> -> memref<120x64xf32, #tpu.memory_space<vmem_shared>>
      %dma_wait3A_58 = arith.constant 0 : i32
      %dma_wait3A_59 = arith.constant 0 : i32
      %dma_wait3A_60 = tpu.memref_slice %arg14[%dma_wait3A_58, %dma_wait3A_59] : memref<128x64xf32, #tpu.memory_space<vmem>> -> memref<120x64xf32, #tpu.memory_space<vmem>>
      tpu.wait_dma2 semaphore(%run_scoped3A : memref<!tpu.dma_semaphore, #tpu.memory_space<semaphore_mem>>) src(%dma_wait3A_60 : memref<120x64xf32, #tpu.memory_space<vmem>>) dst(%dma_wait3A_57 : memref<120x64xf32, #tpu.memory_space<vmem_shared>>)
      tpu.yield
    }) : () -> ()
    "tpu.region"() ({
      %run_scoped3A = tpu.sem_alloc : memref<!tpu.dma_semaphore, #tpu.memory_space<semaphore_mem>>
      %dma_start3A_42 = arith.constant 0 : i32
      %dma_start3A_43 = tpu.memref_slice %arg15[%mul3A_4, %dma_start3A_42] : memref<10112x64xf32, #tpu.memory_space<vmem_shared>> -> memref<632x64xf32, #tpu.memory_space<vmem_shared>>
      %dma_start3A_44 = arith.constant 0 : i32
      %dma_start3A_45 = tpu.memref_slice %arg2[%mul3A_4, %dma_start3A_44] : memref<10112x64xf32, #tpu.memory_space<hbm>> -> memref<632x64xf32, #tpu.memory_space<hbm>>
      tpu.enqueue_dma source(%dma_start3A_45 : memref<632x64xf32, #tpu.memory_space<hbm>>) target(%dma_start3A_43 : memref<632x64xf32, #tpu.memory_space<vmem_shared>>) target_semaphore(%run_scoped3A : memref<!tpu.dma_semaphore, #tpu.memory_space<semaphore_mem>>)
      %dma_wait3A = arith.constant 0 : i32
      %dma_wait3A_46 = tpu.memref_slice %arg15[%mul3A_4, %dma_wait3A] : memref<10112x64xf32, #tpu.memory_space<vmem_shared>> -> memref<632x64xf32, #tpu.memory_space<vmem_shared>>
      %dma_wait3A_47 = arith.constant 0 : i32
      %dma_wait3A_48 = tpu.memref_slice %arg2[%mul3A_4, %dma_wait3A_47] : memref<10112x64xf32, #tpu.memory_space<hbm>> -> memref<632x64xf32, #tpu.memory_space<hbm>>
      tpu.wait_dma2 semaphore(%run_scoped3A : memref<!tpu.dma_semaphore, #tpu.memory_space<semaphore_mem>>) src(%dma_wait3A_48 : memref<632x64xf32, #tpu.memory_space<hbm>>) dst(%dma_wait3A_46 : memref<632x64xf32, #tpu.memory_space<vmem_shared>>)
      tpu.yield
    }) : () -> ()
    %barrier3A = arith.constant 0 : index
    tpu.barrier barrier_id(%barrier3A)
    %dma_start3A = arith.constant 0 : i32
    %dma_start3A_23 = arith.constant 0 : i32
    %dma_start3A_24 = tpu.memref_slice %arg6[%dma_start3A, %dma_start3A_23] : memref<80x128xi32, #tpu.memory_space<vmem>> -> memref<1x128xi32, #tpu.memory_space<vmem>>
    %dma_start3A_25 = tpu.memref_squeeze %dma_start3A_24 : memref<1x128xi32, #tpu.memory_space<vmem>> -> memref<128xi32, #tpu.memory_space<vmem>>
    %dma_start3A_26 = arith.constant 0 : i32
    %dma_start3A_27 = arith.constant 0 : i32
    %dma_start3A_28 = tpu.memref_slice %arg15[%dma_start3A_26, %dma_start3A_27] : memref<10112x64xf32, #tpu.memory_space<vmem_shared>> -> memref<10112x64xf32, #tpu.memory_space<vmem_shared>>
    tpu.enqueue_indirect_dma source(%dma_start3A_28 : memref<10112x64xf32, #tpu.memory_space<vmem_shared>>) target(%arg8 : memref<128x64xf32, #tpu.memory_space<vmem>>) offsets(%dma_start3A_25 : memref<128xi32, #tpu.memory_space<vmem>>) semaphore(%arg10 : memref<!tpu.dma_semaphore, #tpu.memory_space<semaphore_mem>>)
    %dma_start3A_29 = arith.constant 1 : i32
    %dma_start3A_30 = arith.constant 0 : i32
    %dma_start3A_31 = tpu.memref_slice %arg6[%dma_start3A_29, %dma_start3A_30] : memref<80x128xi32, #tpu.memory_space<vmem>> -> memref<1x128xi32, #tpu.memory_space<vmem>>
    %dma_start3A_32 = tpu.memref_squeeze %dma_start3A_31 : memref<1x128xi32, #tpu.memory_space<vmem>> -> memref<128xi32, #tpu.memory_space<vmem>>
    %dma_start3A_33 = arith.constant 0 : i32
    %dma_start3A_34 = arith.constant 0 : i32
    %dma_start3A_35 = tpu.memref_slice %arg15[%dma_start3A_33, %dma_start3A_34] : memref<10112x64xf32, #tpu.memory_space<vmem_shared>> -> memref<10112x64xf32, #tpu.memory_space<vmem_shared>>
    tpu.enqueue_indirect_dma source(%dma_start3A_35 : memref<10112x64xf32, #tpu.memory_space<vmem_shared>>) target(%arg9 : memref<128x64xf32, #tpu.memory_space<vmem>>) offsets(%dma_start3A_32 : memref<128xi32, #tpu.memory_space<vmem>>) semaphore(%arg11 : memref<!tpu.dma_semaphore, #tpu.memory_space<semaphore_mem>>)
    %scan3A_36 = arith.constant 0 : i32
    %scan3A_37 = arith.constant 40 : i32
    %scan3A_38 = arith.addi %scan3A_36, %scan3A_37 : i32
    %scan3A_39 = arith.constant 1 : i32
    scf.for %scan3A_42 = %scan3A_36 to %scan3A_38 step %scan3A_39  : i32 {
      %mul3A_43 = arith.constant 2 : i32
      %mul3A_44 = arith.muli %scan3A_42, %mul3A_43 : i32
      %add3A_45 = arith.constant 0 : i32
      %add3A_46 = arith.addi %add3A_45, %mul3A_44 : i32
      %add3A_47 = arith.constant 0 : i32
      %add3A_48 = arith.addi %add3A_46, %add3A_47 : i32
      %dma_wait3A = arith.constant 0 : i32
      %dma_wait3A_49 = tpu.memref_slice %arg6[%add3A_48, %dma_wait3A] : memref<80x128xi32, #tpu.memory_space<vmem>> -> memref<1x128xi32, #tpu.memory_space<vmem>>
      %dma_wait3A_50 = tpu.memref_squeeze %dma_wait3A_49 : memref<1x128xi32, #tpu.memory_space<vmem>> -> memref<128xi32, #tpu.memory_space<vmem>>
      %dma_wait3A_51 = arith.constant 0 : i32
      %dma_wait3A_52 = arith.constant 0 : i32
      %dma_wait3A_53 = tpu.memref_slice %arg15[%dma_wait3A_51, %dma_wait3A_52] : memref<10112x64xf32, #tpu.memory_space<vmem_shared>> -> memref<10112x64xf32, #tpu.memory_space<vmem_shared>>
      tpu.wait_indirect_dma semaphore(%arg10 : memref<!tpu.dma_semaphore, #tpu.memory_space<semaphore_mem>>) src(%dma_wait3A_53 : memref<10112x64xf32, #tpu.memory_space<vmem_shared>>) dst(%arg8 : memref<128x64xf32, #tpu.memory_space<vmem>>)
      %add3A_54 = arith.constant 0 : i32
      %add3A_55 = arith.addi %add3A_46, %add3A_54 : i32
      %dma_start3A_56 = arith.constant 0 : i32
      %dma_start3A_57 = tpu.memref_slice %arg7[%add3A_55, %dma_start3A_56] : memref<80x128xi32, #tpu.memory_space<vmem>> -> memref<1x128xi32, #tpu.memory_space<vmem>>
      %dma_start3A_58 = tpu.memref_squeeze %dma_start3A_57 : memref<1x128xi32, #tpu.memory_space<vmem>> -> memref<128xi32, #tpu.memory_space<vmem>>
      %dma_start3A_59 = arith.constant 0 : i32
      %dma_start3A_60 = arith.constant 0 : i32
      %dma_start3A_61 = tpu.memref_slice %arg16[%dma_start3A_59, %dma_start3A_60] : memref<10112x64xf32, #tpu.memory_space<vmem_shared>> -> memref<10112x64xf32, #tpu.memory_space<vmem_shared>>
      tpu.enqueue_indirect_dma source(%arg8 : memref<128x64xf32, #tpu.memory_space<vmem>>) target(%dma_start3A_61 : memref<10112x64xf32, #tpu.memory_space<vmem_shared>>) offsets(%dma_start3A_58 : memref<128xi32, #tpu.memory_space<vmem>>) semaphore(%arg12 : memref<!tpu.dma_semaphore, #tpu.memory_space<semaphore_mem>>) {add = true}
      %add3A_62 = arith.constant 1 : i32
      %add3A_63 = arith.addi %add3A_46, %add3A_62 : i32
      %dma_wait3A_64 = arith.constant 0 : i32
      %dma_wait3A_65 = tpu.memref_slice %arg6[%add3A_63, %dma_wait3A_64] : memref<80x128xi32, #tpu.memory_space<vmem>> -> memref<1x128xi32, #tpu.memory_space<vmem>>
      %dma_wait3A_66 = tpu.memref_squeeze %dma_wait3A_65 : memref<1x128xi32, #tpu.memory_space<vmem>> -> memref<128xi32, #tpu.memory_space<vmem>>
      %dma_wait3A_67 = arith.constant 0 : i32
      %dma_wait3A_68 = arith.constant 0 : i32
      %dma_wait3A_69 = tpu.memref_slice %arg15[%dma_wait3A_67, %dma_wait3A_68] : memref<10112x64xf32, #tpu.memory_space<vmem_shared>> -> memref<10112x64xf32, #tpu.memory_space<vmem_shared>>
      tpu.wait_indirect_dma semaphore(%arg11 : memref<!tpu.dma_semaphore, #tpu.memory_space<semaphore_mem>>) src(%dma_wait3A_69 : memref<10112x64xf32, #tpu.memory_space<vmem_shared>>) dst(%arg9 : memref<128x64xf32, #tpu.memory_space<vmem>>)
      %add3A_70 = arith.constant 1 : i32
      %add3A_71 = arith.addi %add3A_46, %add3A_70 : i32
      %dma_start3A_72 = arith.constant 0 : i32
      %dma_start3A_73 = tpu.memref_slice %arg7[%add3A_71, %dma_start3A_72] : memref<80x128xi32, #tpu.memory_space<vmem>> -> memref<1x128xi32, #tpu.memory_space<vmem>>
      %dma_start3A_74 = tpu.memref_squeeze %dma_start3A_73 : memref<1x128xi32, #tpu.memory_space<vmem>> -> memref<128xi32, #tpu.memory_space<vmem>>
      %dma_start3A_75 = arith.constant 0 : i32
      %dma_start3A_76 = arith.constant 0 : i32
      %dma_start3A_77 = tpu.memref_slice %arg16[%dma_start3A_75, %dma_start3A_76] : memref<10112x64xf32, #tpu.memory_space<vmem_shared>> -> memref<10112x64xf32, #tpu.memory_space<vmem_shared>>
      tpu.enqueue_indirect_dma source(%arg9 : memref<128x64xf32, #tpu.memory_space<vmem>>) target(%dma_start3A_77 : memref<10112x64xf32, #tpu.memory_space<vmem_shared>>) offsets(%dma_start3A_74 : memref<128xi32, #tpu.memory_space<vmem>>) semaphore(%arg13 : memref<!tpu.dma_semaphore, #tpu.memory_space<semaphore_mem>>) {add = true}
      %add3A_78 = arith.constant 0 : i32
      %add3A_79 = arith.addi %add3A_46, %add3A_78 : i32
      %dma_wait3A_80 = arith.constant 0 : i32
      %dma_wait3A_81 = tpu.memref_slice %arg7[%add3A_79, %dma_wait3A_80] : memref<80x128xi32, #tpu.memory_space<vmem>> -> memref<1x128xi32, #tpu.memory_space<vmem>>
      %dma_wait3A_82 = tpu.memref_squeeze %dma_wait3A_81 : memref<1x128xi32, #tpu.memory_space<vmem>> -> memref<128xi32, #tpu.memory_space<vmem>>
      %dma_wait3A_83 = arith.constant 0 : i32
      %dma_wait3A_84 = arith.constant 0 : i32
      %dma_wait3A_85 = tpu.memref_slice %arg16[%dma_wait3A_83, %dma_wait3A_84] : memref<10112x64xf32, #tpu.memory_space<vmem_shared>> -> memref<10112x64xf32, #tpu.memory_space<vmem_shared>>
      tpu.wait_indirect_dma semaphore(%arg12 : memref<!tpu.dma_semaphore, #tpu.memory_space<semaphore_mem>>) src(%arg8 : memref<128x64xf32, #tpu.memory_space<vmem>>) dst(%dma_wait3A_85 : memref<10112x64xf32, #tpu.memory_space<vmem_shared>>)
      %add3A_86 = arith.constant 2 : i32
      %add3A_87 = arith.addi %add3A_46, %add3A_86 : i32
      %add3A_88 = arith.constant 0 : i32
      %add3A_89 = arith.addi %add3A_87, %add3A_88 : i32
      %lt3A = arith.constant 80 : i32
      %lt3A_90 = arith.cmpi slt, %add3A_89, %lt3A : i32
      %convert_element_type3A = arith.extui %lt3A_90 : i1 to i32
      %cond3A = arith.constant 0 : i32
      %cond3A_91 = arith.cmpi ne, %convert_element_type3A, %cond3A : i32
      scf.if %cond3A_91 {
        %add3A_109 = arith.constant 2 : i32
        %add3A_110 = arith.addi %add3A_46, %add3A_109 : i32
        %add3A_111 = arith.constant 0 : i32
        %add3A_112 = arith.addi %add3A_110, %add3A_111 : i32
        %dma_start3A_113 = arith.constant 0 : i32
        %dma_start3A_114 = tpu.memref_slice %arg6[%add3A_112, %dma_start3A_113] : memref<80x128xi32, #tpu.memory_space<vmem>> -> memref<1x128xi32, #tpu.memory_space<vmem>>
        %dma_start3A_115 = tpu.memref_squeeze %dma_start3A_114 : memref<1x128xi32, #tpu.memory_space<vmem>> -> memref<128xi32, #tpu.memory_space<vmem>>
        %dma_start3A_116 = arith.constant 0 : i32
        %dma_start3A_117 = arith.constant 0 : i32
        %dma_start3A_118 = tpu.memref_slice %arg15[%dma_start3A_116, %dma_start3A_117] : memref<10112x64xf32, #tpu.memory_space<vmem_shared>> -> memref<10112x64xf32, #tpu.memory_space<vmem_shared>>
        tpu.enqueue_indirect_dma source(%dma_start3A_118 : memref<10112x64xf32, #tpu.memory_space<vmem_shared>>) target(%arg8 : memref<128x64xf32, #tpu.memory_space<vmem>>) offsets(%dma_start3A_115 : memref<128xi32, #tpu.memory_space<vmem>>) semaphore(%arg10 : memref<!tpu.dma_semaphore, #tpu.memory_space<semaphore_mem>>)
      } else {
      }
      %add3A_92 = arith.constant 1 : i32
      %add3A_93 = arith.addi %add3A_46, %add3A_92 : i32
      %dma_wait3A_94 = arith.constant 0 : i32
      %dma_wait3A_95 = tpu.memref_slice %arg7[%add3A_93, %dma_wait3A_94] : memref<80x128xi32, #tpu.memory_space<vmem>> -> memref<1x128xi32, #tpu.memory_space<vmem>>
      %dma_wait3A_96 = tpu.memref_squeeze %dma_wait3A_95 : memref<1x128xi32, #tpu.memory_space<vmem>> -> memref<128xi32, #tpu.memory_space<vmem>>
      %dma_wait3A_97 = arith.constant 0 : i32
      %dma_wait3A_98 = arith.constant 0 : i32
      %dma_wait3A_99 = tpu.memref_slice %arg16[%dma_wait3A_97, %dma_wait3A_98] : memref<10112x64xf32, #tpu.memory_space<vmem_shared>> -> memref<10112x64xf32, #tpu.memory_space<vmem_shared>>
      tpu.wait_indirect_dma semaphore(%arg13 : memref<!tpu.dma_semaphore, #tpu.memory_space<semaphore_mem>>) src(%arg9 : memref<128x64xf32, #tpu.memory_space<vmem>>) dst(%dma_wait3A_99 : memref<10112x64xf32, #tpu.memory_space<vmem_shared>>)
      %add3A_100 = arith.constant 2 : i32
      %add3A_101 = arith.addi %add3A_46, %add3A_100 : i32
      %add3A_102 = arith.constant 1 : i32
      %add3A_103 = arith.addi %add3A_101, %add3A_102 : i32
      %lt3A_104 = arith.constant 80 : i32
      %lt3A_105 = arith.cmpi slt, %add3A_103, %lt3A_104 : i32
      %convert_element_type3A_106 = arith.extui %lt3A_105 : i1 to i32
      %cond3A_107 = arith.constant 0 : i32
      %cond3A_108 = arith.cmpi ne, %convert_element_type3A_106, %cond3A_107 : i32
      scf.if %cond3A_108 {
        %add3A_109 = arith.constant 2 : i32
        %add3A_110 = arith.addi %add3A_46, %add3A_109 : i32
        %add3A_111 = arith.constant 1 : i32
        %add3A_112 = arith.addi %add3A_110, %add3A_111 : i32
        %dma_start3A_113 = arith.constant 0 : i32
        %dma_start3A_114 = tpu.memref_slice %arg6[%add3A_112, %dma_start3A_113] : memref<80x128xi32, #tpu.memory_space<vmem>> -> memref<1x128xi32, #tpu.memory_space<vmem>>
        %dma_start3A_115 = tpu.memref_squeeze %dma_start3A_114 : memref<1x128xi32, #tpu.memory_space<vmem>> -> memref<128xi32, #tpu.memory_space<vmem>>
        %dma_start3A_116 = arith.constant 0 : i32
        %dma_start3A_117 = arith.constant 0 : i32
        %dma_start3A_118 = tpu.memref_slice %arg15[%dma_start3A_116, %dma_start3A_117] : memref<10112x64xf32, #tpu.memory_space<vmem_shared>> -> memref<10112x64xf32, #tpu.memory_space<vmem_shared>>
        tpu.enqueue_indirect_dma source(%dma_start3A_118 : memref<10112x64xf32, #tpu.memory_space<vmem_shared>>) target(%arg9 : memref<128x64xf32, #tpu.memory_space<vmem>>) offsets(%dma_start3A_115 : memref<128xi32, #tpu.memory_space<vmem>>) semaphore(%arg11 : memref<!tpu.dma_semaphore, #tpu.memory_space<semaphore_mem>>)
      } else {
      }
    }
    %scan3A_40 = arith.constant 40 : i32
    %barrier3A_41 = arith.constant 0 : index
    tpu.barrier barrier_id(%barrier3A_41)
    "tpu.region"() ({
      %run_scoped3A = tpu.sem_alloc : memref<!tpu.dma_semaphore, #tpu.memory_space<semaphore_mem>>
      %dma_start3A_42 = arith.constant 0 : i32
      %dma_start3A_43 = tpu.memref_slice %arg5[%arg0, %mul3A_2, %dma_start3A_42] : memref<2x10112x64xf32, #tpu.memory_space<hbm>> -> memref<1x632x64xf32, #tpu.memory_space<hbm>>
      %dma_start3A_44 = tpu.memref_squeeze %dma_start3A_43 : memref<1x632x64xf32, #tpu.memory_space<hbm>> -> memref<632x64xf32, #tpu.memory_space<hbm>>
      %dma_start3A_45 = arith.constant 0 : i32
      %dma_start3A_46 = tpu.memref_slice %arg16[%mul3A_2, %dma_start3A_45] : memref<10112x64xf32, #tpu.memory_space<vmem_shared>> -> memref<632x64xf32, #tpu.memory_space<vmem_shared>>
      tpu.enqueue_dma source(%dma_start3A_46 : memref<632x64xf32, #tpu.memory_space<vmem_shared>>) target(%dma_start3A_44 : memref<632x64xf32, #tpu.memory_space<hbm>>) target_semaphore(%run_scoped3A : memref<!tpu.dma_semaphore, #tpu.memory_space<semaphore_mem>>)
      %dma_wait3A = arith.constant 0 : i32
      %dma_wait3A_47 = tpu.memref_slice %arg5[%arg0, %mul3A_2, %dma_wait3A] : memref<2x10112x64xf32, #tpu.memory_space<hbm>> -> memref<1x632x64xf32, #tpu.memory_space<hbm>>
      %dma_wait3A_48 = tpu.memref_squeeze %dma_wait3A_47 : memref<1x632x64xf32, #tpu.memory_space<hbm>> -> memref<632x64xf32, #tpu.memory_space<hbm>>
      %dma_wait3A_49 = arith.constant 0 : i32
      %dma_wait3A_50 = tpu.memref_slice %arg16[%mul3A_2, %dma_wait3A_49] : memref<10112x64xf32, #tpu.memory_space<vmem_shared>> -> memref<632x64xf32, #tpu.memory_space<vmem_shared>>
      tpu.wait_dma2 semaphore(%run_scoped3A : memref<!tpu.dma_semaphore, #tpu.memory_space<semaphore_mem>>) src(%dma_wait3A_50 : memref<632x64xf32, #tpu.memory_space<vmem_shared>>) dst(%dma_wait3A_48 : memref<632x64xf32, #tpu.memory_space<hbm>>)
      tpu.yield
    }) : () -> ()
    return
  }
}

#map = affine_map<(d0, d1) -> (0, 0)>
#map1 = affine_map<(d0, d1) -> (0, 0, 0)>
module attributes {stable_mosaic.version = 14 : i64} {
  func.func @_gs_body(%arg0: i32, %arg1: i32, %arg2: memref<10112x64xf32, #tpu.memory_space<hbm>>, %arg3: memref<2560x128xi32, #tpu.memory_space<hbm>>, %arg4: memref<2560x128xi32, #tpu.memory_space<hbm>>, %arg5: memref<2x10112x64xf32, #tpu.memory_space<hbm>>, %arg6: memref<80x128xi32, #tpu.memory_space<vmem>>, %arg7: memref<80x128xi32, #tpu.memory_space<vmem>>, %arg8: memref<128x64xf32, #tpu.memory_space<vmem>>, %arg9: memref<128x64xf32, #tpu.memory_space<vmem>>, %arg10: memref<!tpu.dma_semaphore, #tpu.memory_space<semaphore_mem>>, %arg11: memref<!tpu.dma_semaphore, #tpu.memory_space<semaphore_mem>>, %arg12: memref<!tpu.dma_semaphore, #tpu.memory_space<semaphore_mem>>, %arg13: memref<!tpu.dma_semaphore, #tpu.memory_space<semaphore_mem>>, %arg14: memref<128x64xf32, #tpu.memory_space<vmem>>, %arg15: memref<10112x64xf32, #tpu.memory_space<vmem_shared>>, %arg16: memref<10112x64xf32, #tpu.memory_space<vmem_shared>>) attributes {dimension_semantics = [#tpu.dimension_semantics<core_parallel>, #tpu.dimension_semantics<subcore_parallel>], iteration_bounds = array<i64: 2, 16>, scalar_prefetch = 0 : i64, scratch_operands = 11 : i64, tpu.core_type = #tpu.core_type<sc_vector_subcore>, window_params = [{transform_indices = #map}, {transform_indices = #map}, {transform_indices = #map}, {transform_indices = #map1}]} {
    %mul3A = arith.constant 16 : i32
    %mul3A_0 = arith.muli %arg0, %mul3A : i32
    %add3A = arith.addi %mul3A_0, %arg1 : i32
    %mul3A_1 = arith.constant 632 : i32
    %mul3A_2 = arith.muli %arg1, %mul3A_1 : i32
    %mul3A_3 = arith.constant 632 : i32
    %mul3A_4 = arith.muli %arg1, %mul3A_3 : i32
    %mul3A_5 = arith.constant 80 : i32
    %mul3A_6 = arith.muli %add3A, %mul3A_5 : i32
    "tpu.region"() ({
      %run_scoped3A = tpu.sem_alloc : memref<!tpu.dma_semaphore, #tpu.memory_space<semaphore_mem>>
      %dma_start3A_42 = arith.constant 0 : i32
      %dma_start3A_43 = tpu.memref_slice %arg3[%mul3A_6, %dma_start3A_42] : memref<2560x128xi32, #tpu.memory_space<hbm>> -> memref<80x128xi32, #tpu.memory_space<hbm>>
      %dma_start3A_44 = arith.constant 0 : i32
      %dma_start3A_45 = tpu.memref_slice %arg3[%mul3A_6, %dma_start3A_44] : memref<2560x128xi32, #tpu.memory_space<hbm>> -> memref<80x128xi32, #tpu.memory_space<hbm>>
      tpu.enqueue_dma source(%dma_start3A_45 : memref<80x128xi32, #tpu.memory_space<hbm>>) target(%arg6 : memref<80x128xi32, #tpu.memory_space<vmem>>) target_semaphore(%run_scoped3A : memref<!tpu.dma_semaphore, #tpu.memory_space<semaphore_mem>>)
      %dma_wait3A = arith.constant 0 : i32
      %dma_wait3A_46 = tpu.memref_slice %arg3[%mul3A_6, %dma_wait3A] : memref<2560x128xi32, #tpu.memory_space<hbm>> -> memref<80x128xi32, #tpu.memory_space<hbm>>
      %dma_wait3A_47 = arith.constant 0 : i32
      %dma_wait3A_48 = tpu.memref_slice %arg3[%mul3A_6, %dma_wait3A_47] : memref<2560x128xi32, #tpu.memory_space<hbm>> -> memref<80x128xi32, #tpu.memory_space<hbm>>
      tpu.wait_dma2 semaphore(%run_scoped3A : memref<!tpu.dma_semaphore, #tpu.memory_space<semaphore_mem>>) src(%dma_wait3A_48 : memref<80x128xi32, #tpu.memory_space<hbm>>) dst(%arg6 : memref<80x128xi32, #tpu.memory_space<vmem>>)
      tpu.yield
    }) : () -> ()
    %mul3A_7 = arith.constant 80 : i32
    %mul3A_8 = arith.muli %add3A, %mul3A_7 : i32
    "tpu.region"() ({
      %run_scoped3A = tpu.sem_alloc : memref<!tpu.dma_semaphore, #tpu.memory_space<semaphore_mem>>
      %dma_start3A_42 = arith.constant 0 : i32
      %dma_start3A_43 = tpu.memref_slice %arg4[%mul3A_8, %dma_start3A_42] : memref<2560x128xi32, #tpu.memory_space<hbm>> -> memref<80x128xi32, #tpu.memory_space<hbm>>
      %dma_start3A_44 = arith.constant 0 : i32
      %dma_start3A_45 = tpu.memref_slice %arg4[%mul3A_8, %dma_start3A_44] : memref<2560x128xi32, #tpu.memory_space<hbm>> -> memref<80x128xi32, #tpu.memory_space<hbm>>
      tpu.enqueue_dma source(%dma_start3A_45 : memref<80x128xi32, #tpu.memory_space<hbm>>) target(%arg7 : memref<80x128xi32, #tpu.memory_space<vmem>>) target_semaphore(%run_scoped3A : memref<!tpu.dma_semaphore, #tpu.memory_space<semaphore_mem>>)
      %dma_wait3A = arith.constant 0 : i32
      %dma_wait3A_46 = tpu.memref_slice %arg4[%mul3A_8, %dma_wait3A] : memref<2560x128xi32, #tpu.memory_space<hbm>> -> memref<80x128xi32, #tpu.memory_space<hbm>>
      %dma_wait3A_47 = arith.constant 0 : i32
      %dma_wait3A_48 = tpu.memref_slice %arg4[%mul3A_8, %dma_wait3A_47] : memref<2560x128xi32, #tpu.memory_space<hbm>> -> memref<80x128xi32, #tpu.memory_space<hbm>>
      tpu.wait_dma2 semaphore(%run_scoped3A : memref<!tpu.dma_semaphore, #tpu.memory_space<semaphore_mem>>) src(%dma_wait3A_48 : memref<80x128xi32, #tpu.memory_space<hbm>>) dst(%arg7 : memref<80x128xi32, #tpu.memory_space<vmem>>)
      tpu.yield
    }) : () -> ()
    %scan3A = arith.constant 0 : i32
    %scan3A_9 = arith.constant 128 : i32
    %scan3A_10 = arith.addi %scan3A, %scan3A_9 : i32
    %scan3A_11 = arith.constant 1 : i32
    scf.for %scan3A_42 = %scan3A to %scan3A_10 step %scan3A_11  : i32 {
      %mul3A_43 = arith.constant 1 : i32
      %mul3A_44 = arith.muli %scan3A_42, %mul3A_43 : i32
      %add3A_45 = arith.constant 0 : i32
      %add3A_46 = arith.addi %add3A_45, %mul3A_44 : i32
      %broadcast_in_dim3A = arith.constant 0.000000e+00 : f32
      %broadcast_in_dim3A_47 = vector.broadcast %broadcast_in_dim3A : f32 to vector<16xf32>
      %swap3A = arith.index_cast %add3A_46 : i32 to index
      %swap3A_48 = arith.constant 0 : index
      %swap3A_49 = tpu.vector_load %arg14[%swap3A, %swap3A_48] {strides = array<i32>} : memref<128x64xf32, #tpu.memory_space<vmem>>, vector<1x16xf32>,
      %swap3A_50 = vector.shape_cast %swap3A_49 : vector<1x16xf32> to vector<16xf32>
      %swap3A_51 = vector.shape_cast %broadcast_in_dim3A_47 : vector<16xf32> to vector<1x16xf32>
      tpu.vector_store %arg14[%swap3A, %swap3A_48], %swap3A_51 {strides = array<i32>} : memref<128x64xf32, #tpu.memory_space<vmem>>, vector<1x16xf32>,
      %broadcast_in_dim3A_52 = arith.constant 0.000000e+00 : f32
      %broadcast_in_dim3A_53 = vector.broadcast %broadcast_in_dim3A_52 : f32 to vector<16xf32>
      %swap3A_54 = arith.index_cast %add3A_46 : i32 to index
      %swap3A_55 = arith.constant 16 : index
      %swap3A_56 = tpu.vector_load %arg14[%swap3A_54, %swap3A_55] {strides = array<i32>} : memref<128x64xf32, #tpu.memory_space<vmem>>, vector<1x16xf32>,
      %swap3A_57 = vector.shape_cast %swap3A_56 : vector<1x16xf32> to vector<16xf32>
      %swap3A_58 = vector.shape_cast %broadcast_in_dim3A_53 : vector<16xf32> to vector<1x16xf32>
      tpu.vector_store %arg14[%swap3A_54, %swap3A_55], %swap3A_58 {strides = array<i32>} : memref<128x64xf32, #tpu.memory_space<vmem>>, vector<1x16xf32>,
      %broadcast_in_dim3A_59 = arith.constant 0.000000e+00 : f32
      %broadcast_in_dim3A_60 = vector.broadcast %broadcast_in_dim3A_59 : f32 to vector<16xf32>
      %swap3A_61 = arith.index_cast %add3A_46 : i32 to index
      %swap3A_62 = arith.constant 32 : index
      %swap3A_63 = tpu.vector_load %arg14[%swap3A_61, %swap3A_62] {strides = array<i32>} : memref<128x64xf32, #tpu.memory_space<vmem>>, vector<1x16xf32>,
      %swap3A_64 = vector.shape_cast %swap3A_63 : vector<1x16xf32> to vector<16xf32>
      %swap3A_65 = vector.shape_cast %broadcast_in_dim3A_60 : vector<16xf32> to vector<1x16xf32>
      tpu.vector_store %arg14[%swap3A_61, %swap3A_62], %swap3A_65 {strides = array<i32>} : memref<128x64xf32, #tpu.memory_space<vmem>>, vector<1x16xf32>,
      %broadcast_in_dim3A_66 = arith.constant 0.000000e+00 : f32
      %broadcast_in_dim3A_67 = vector.broadcast %broadcast_in_dim3A_66 : f32 to vector<16xf32>
      %swap3A_68 = arith.index_cast %add3A_46 : i32 to index
      %swap3A_69 = arith.constant 48 : index
      %swap3A_70 = tpu.vector_load %arg14[%swap3A_68, %swap3A_69] {strides = array<i32>} : memref<128x64xf32, #tpu.memory_space<vmem>>, vector<1x16xf32>,
      %swap3A_71 = vector.shape_cast %swap3A_70 : vector<1x16xf32> to vector<16xf32>
      %swap3A_72 = vector.shape_cast %broadcast_in_dim3A_67 : vector<16xf32> to vector<1x16xf32>
      tpu.vector_store %arg14[%swap3A_68, %swap3A_69], %swap3A_72 {strides = array<i32>} : memref<128x64xf32, #tpu.memory_space<vmem>>, vector<1x16xf32>,
    }
    %scan3A_12 = arith.constant 128 : i32
    %add3A_13 = arith.constant 0 : i32
    %add3A_14 = arith.addi %mul3A_2, %add3A_13 : i32
    "tpu.region"() ({
      %run_scoped3A = tpu.sem_alloc : memref<!tpu.dma_semaphore, #tpu.memory_space<semaphore_mem>>
      %dma_start3A_42 = arith.constant 0 : i32
      %dma_start3A_43 = tpu.memref_slice %arg16[%add3A_14, %dma_start3A_42] : memref<10112x64xf32, #tpu.memory_space<vmem_shared>> -> memref<128x64xf32, #tpu.memory_space<vmem_shared>>
      %dma_start3A_44 = arith.constant 0 : i32
      %dma_start3A_45 = tpu.memref_slice %arg16[%add3A_14, %dma_start3A_44] : memref<10112x64xf32, #tpu.memory_space<vmem_shared>> -> memref<128x64xf32, #tpu.memory_space<vmem_shared>>
      tpu.enqueue_dma source(%arg14 : memref<128x64xf32, #tpu.memory_space<vmem>>) target(%dma_start3A_45 : memref<128x64xf32, #tpu.memory_space<vmem_shared>>) target_semaphore(%run_scoped3A : memref<!tpu.dma_semaphore, #tpu.memory_space<semaphore_mem>>)
      %dma_wait3A = arith.constant 0 : i32
      %dma_wait3A_46 = tpu.memref_slice %arg16[%add3A_14, %dma_wait3A] : memref<10112x64xf32, #tpu.memory_space<vmem_shared>> -> memref<128x64xf32, #tpu.memory_space<vmem_shared>>
      %dma_wait3A_47 = arith.constant 0 : i32
      %dma_wait3A_48 = tpu.memref_slice %arg16[%add3A_14, %dma_wait3A_47] : memref<10112x64xf32, #tpu.memory_space<vmem_shared>> -> memref<128x64xf32, #tpu.memory_space<vmem_shared>>
      tpu.wait_dma2 semaphore(%run_scoped3A : memref<!tpu.dma_semaphore, #tpu.memory_space<semaphore_mem>>) src(%arg14 : memref<128x64xf32, #tpu.memory_space<vmem>>) dst(%dma_wait3A_48 : memref<128x64xf32, #tpu.memory_space<vmem_shared>>)
      tpu.yield
    }) : () -> ()
    %add3A_15 = arith.constant 128 : i32
    %add3A_16 = arith.addi %mul3A_2, %add3A_15 : i32
    "tpu.region"() ({
      %run_scoped3A = tpu.sem_alloc : memref<!tpu.dma_semaphore, #tpu.memory_space<semaphore_mem>>
      %dma_start3A_42 = arith.constant 0 : i32
      %dma_start3A_43 = tpu.memref_slice %arg16[%add3A_16, %dma_start3A_42] : memref<10112x64xf32, #tpu.memory_space<vmem_shared>> -> memref<128x64xf32, #tpu.memory_space<vmem_shared>>
      %dma_start3A_44 = arith.constant 0 : i32
      %dma_start3A_45 = tpu.memref_slice %arg16[%add3A_16, %dma_start3A_44] : memref<10112x64xf32, #tpu.memory_space<vmem_shared>> -> memref<128x64xf32, #tpu.memory_space<vmem_shared>>
      tpu.enqueue_dma source(%arg14 : memref<128x64xf32, #tpu.memory_space<vmem>>) target(%dma_start3A_45 : memref<128x64xf32, #tpu.memory_space<vmem_shared>>) target_semaphore(%run_scoped3A : memref<!tpu.dma_semaphore, #tpu.memory_space<semaphore_mem>>)
      %dma_wait3A = arith.constant 0 : i32
      %dma_wait3A_46 = tpu.memref_slice %arg16[%add3A_16, %dma_wait3A] : memref<10112x64xf32, #tpu.memory_space<vmem_shared>> -> memref<128x64xf32, #tpu.memory_space<vmem_shared>>
      %dma_wait3A_47 = arith.constant 0 : i32
      %dma_wait3A_48 = tpu.memref_slice %arg16[%add3A_16, %dma_wait3A_47] : memref<10112x64xf32, #tpu.memory_space<vmem_shared>> -> memref<128x64xf32, #tpu.memory_space<vmem_shared>>
      tpu.wait_dma2 semaphore(%run_scoped3A : memref<!tpu.dma_semaphore, #tpu.memory_space<semaphore_mem>>) src(%arg14 : memref<128x64xf32, #tpu.memory_space<vmem>>) dst(%dma_wait3A_48 : memref<128x64xf32, #tpu.memory_space<vmem_shared>>)
      tpu.yield
    }) : () -> ()
    %add3A_17 = arith.constant 256 : i32
    %add3A_18 = arith.addi %mul3A_2, %add3A_17 : i32
    "tpu.region"() ({
      %run_scoped3A = tpu.sem_alloc : memref<!tpu.dma_semaphore, #tpu.memory_space<semaphore_mem>>
      %dma_start3A_42 = arith.constant 0 : i32
      %dma_start3A_43 = tpu.memref_slice %arg16[%add3A_18, %dma_start3A_42] : memref<10112x64xf32, #tpu.memory_space<vmem_shared>> -> memref<128x64xf32, #tpu.memory_space<vmem_shared>>
      %dma_start3A_44 = arith.constant 0 : i32
      %dma_start3A_45 = tpu.memref_slice %arg16[%add3A_18, %dma_start3A_44] : memref<10112x64xf32, #tpu.memory_space<vmem_shared>> -> memref<128x64xf32, #tpu.memory_space<vmem_shared>>
      tpu.enqueue_dma source(%arg14 : memref<128x64xf32, #tpu.memory_space<vmem>>) target(%dma_start3A_45 : memref<128x64xf32, #tpu.memory_space<vmem_shared>>) target_semaphore(%run_scoped3A : memref<!tpu.dma_semaphore, #tpu.memory_space<semaphore_mem>>)
      %dma_wait3A = arith.constant 0 : i32
      %dma_wait3A_46 = tpu.memref_slice %arg16[%add3A_18, %dma_wait3A] : memref<10112x64xf32, #tpu.memory_space<vmem_shared>> -> memref<128x64xf32, #tpu.memory_space<vmem_shared>>
      %dma_wait3A_47 = arith.constant 0 : i32
      %dma_wait3A_48 = tpu.memref_slice %arg16[%add3A_18, %dma_wait3A_47] : memref<10112x64xf32, #tpu.memory_space<vmem_shared>> -> memref<128x64xf32, #tpu.memory_space<vmem_shared>>
      tpu.wait_dma2 semaphore(%run_scoped3A : memref<!tpu.dma_semaphore, #tpu.memory_space<semaphore_mem>>) src(%arg14 : memref<128x64xf32, #tpu.memory_space<vmem>>) dst(%dma_wait3A_48 : memref<128x64xf32, #tpu.memory_space<vmem_shared>>)
      tpu.yield
    }) : () -> ()
    %add3A_19 = arith.constant 384 : i32
    %add3A_20 = arith.addi %mul3A_2, %add3A_19 : i32
    "tpu.region"() ({
      %run_scoped3A = tpu.sem_alloc : memref<!tpu.dma_semaphore, #tpu.memory_space<semaphore_mem>>
      %dma_start3A_42 = arith.constant 0 : i32
      %dma_start3A_43 = tpu.memref_slice %arg16[%add3A_20, %dma_start3A_42] : memref<10112x64xf32, #tpu.memory_space<vmem_shared>> -> memref<128x64xf32, #tpu.memory_space<vmem_shared>>
      %dma_start3A_44 = arith.constant 0 : i32
      %dma_start3A_45 = tpu.memref_slice %arg16[%add3A_20, %dma_start3A_44] : memref<10112x64xf32, #tpu.memory_space<vmem_shared>> -> memref<128x64xf32, #tpu.memory_space<vmem_shared>>
      tpu.enqueue_dma source(%arg14 : memref<128x64xf32, #tpu.memory_space<vmem>>) target(%dma_start3A_45 : memref<128x64xf32, #tpu.memory_space<vmem_shared>>) target_semaphore(%run_scoped3A : memref<!tpu.dma_semaphore, #tpu.memory_space<semaphore_mem>>)
      %dma_wait3A = arith.constant 0 : i32
      %dma_wait3A_46 = tpu.memref_slice %arg16[%add3A_20, %dma_wait3A] : memref<10112x64xf32, #tpu.memory_space<vmem_shared>> -> memref<128x64xf32, #tpu.memory_space<vmem_shared>>
      %dma_wait3A_47 = arith.constant 0 : i32
      %dma_wait3A_48 = tpu.memref_slice %arg16[%add3A_20, %dma_wait3A_47] : memref<10112x64xf32, #tpu.memory_space<vmem_shared>> -> memref<128x64xf32, #tpu.memory_space<vmem_shared>>
      tpu.wait_dma2 semaphore(%run_scoped3A : memref<!tpu.dma_semaphore, #tpu.memory_space<semaphore_mem>>) src(%arg14 : memref<128x64xf32, #tpu.memory_space<vmem>>) dst(%dma_wait3A_48 : memref<128x64xf32, #tpu.memory_space<vmem_shared>>)
      tpu.yield
    }) : () -> ()
    %add3A_21 = arith.constant 512 : i32
    %add3A_22 = arith.addi %mul3A_2, %add3A_21 : i32
    "tpu.region"() ({
      %run_scoped3A = tpu.sem_alloc : memref<!tpu.dma_semaphore, #tpu.memory_space<semaphore_mem>>
      %dma_start3A_42 = arith.constant 0 : i32
      %dma_start3A_43 = arith.constant 0 : i32
      %dma_start3A_44 = tpu.memref_slice %arg14[%dma_start3A_42, %dma_start3A_43] : memref<128x64xf32, #tpu.memory_space<vmem>> -> memref<120x64xf32, #tpu.memory_space<vmem>>
      %dma_start3A_45 = arith.constant 0 : i32
      %dma_start3A_46 = tpu.memref_slice %arg16[%add3A_22, %dma_start3A_45] : memref<10112x64xf32, #tpu.memory_space<vmem_shared>> -> memref<120x64xf32, #tpu.memory_space<vmem_shared>>
      %dma_start3A_47 = arith.constant 0 : i32
      %dma_start3A_48 = tpu.memref_slice %arg16[%add3A_22, %dma_start3A_47] : memref<10112x64xf32, #tpu.memory_space<vmem_shared>> -> memref<120x64xf32, #tpu.memory_space<vmem_shared>>
      %dma_start3A_49 = arith.constant 0 : i32
      %dma_start3A_50 = arith.constant 0 : i32
      %dma_start3A_51 = tpu.memref_slice %arg14[%dma_start3A_49, %dma_start3A_50] : memref<128x64xf32, #tpu.memory_space<vmem>> -> memref<120x64xf32, #tpu.memory_space<vmem>>
      tpu.enqueue_dma source(%dma_start3A_51 : memref<120x64xf32, #tpu.memory_space<vmem>>) target(%dma_start3A_48 : memref<120x64xf32, #tpu.memory_space<vmem_shared>>) target_semaphore(%run_scoped3A : memref<!tpu.dma_semaphore, #tpu.memory_space<semaphore_mem>>)
      %dma_wait3A = arith.constant 0 : i32
      %dma_wait3A_52 = arith.constant 0 : i32
      %dma_wait3A_53 = tpu.memref_slice %arg14[%dma_wait3A, %dma_wait3A_52] : memref<128x64xf32, #tpu.memory_space<vmem>> -> memref<120x64xf32, #tpu.memory_space<vmem>>
      %dma_wait3A_54 = arith.constant 0 : i32
      %dma_wait3A_55 = tpu.memref_slice %arg16[%add3A_22, %dma_wait3A_54] : memref<10112x64xf32, #tpu.memory_space<vmem_shared>> -> memref<120x64xf32, #tpu.memory_space<vmem_shared>>
      %dma_wait3A_56 = arith.constant 0 : i32
      %dma_wait3A_57 = tpu.memref_slice %arg16[%add3A_22, %dma_wait3A_56] : memref<10112x64xf32, #tpu.memory_space<vmem_shared>> -> memref<120x64xf32, #tpu.memory_space<vmem_shared>>
      %dma_wait3A_58 = arith.constant 0 : i32
      %dma_wait3A_59 = arith.constant 0 : i32
      %dma_wait3A_60 = tpu.memref_slice %arg14[%dma_wait3A_58, %dma_wait3A_59] : memref<128x64xf32, #tpu.memory_space<vmem>> -> memref<120x64xf32, #tpu.memory_space<vmem>>
      tpu.wait_dma2 semaphore(%run_scoped3A : memref<!tpu.dma_semaphore, #tpu.memory_space<semaphore_mem>>) src(%dma_wait3A_60 : memref<120x64xf32, #tpu.memory_space<vmem>>) dst(%dma_wait3A_57 : memref<120x64xf32, #tpu.memory_space<vmem_shared>>)
      tpu.yield
    }) : () -> ()
    "tpu.region"() ({
      %run_scoped3A = tpu.sem_alloc : memref<!tpu.dma_semaphore, #tpu.memory_space<semaphore_mem>>
      %dma_start3A_42 = arith.constant 0 : i32
      %dma_start3A_43 = tpu.memref_slice %arg15[%mul3A_4, %dma_start3A_42] : memref<10112x64xf32, #tpu.memory_space<vmem_shared>> -> memref<632x64xf32, #tpu.memory_space<vmem_shared>>
      %dma_start3A_44 = arith.constant 0 : i32
      %dma_start3A_45 = tpu.memref_slice %arg2[%mul3A_4, %dma_start3A_44] : memref<10112x64xf32, #tpu.memory_space<hbm>> -> memref<632x64xf32, #tpu.memory_space<hbm>>
      tpu.enqueue_dma source(%dma_start3A_45 : memref<632x64xf32, #tpu.memory_space<hbm>>) target(%dma_start3A_43 : memref<632x64xf32, #tpu.memory_space<vmem_shared>>) target_semaphore(%run_scoped3A : memref<!tpu.dma_semaphore, #tpu.memory_space<semaphore_mem>>)
      %dma_wait3A = arith.constant 0 : i32
      %dma_wait3A_46 = tpu.memref_slice %arg15[%mul3A_4, %dma_wait3A] : memref<10112x64xf32, #tpu.memory_space<vmem_shared>> -> memref<632x64xf32, #tpu.memory_space<vmem_shared>>
      %dma_wait3A_47 = arith.constant 0 : i32
      %dma_wait3A_48 = tpu.memref_slice %arg2[%mul3A_4, %dma_wait3A_47] : memref<10112x64xf32, #tpu.memory_space<hbm>> -> memref<632x64xf32, #tpu.memory_space<hbm>>
      tpu.wait_dma2 semaphore(%run_scoped3A : memref<!tpu.dma_semaphore, #tpu.memory_space<semaphore_mem>>) src(%dma_wait3A_48 : memref<632x64xf32, #tpu.memory_space<hbm>>) dst(%dma_wait3A_46 : memref<632x64xf32, #tpu.memory_space<vmem_shared>>)
      tpu.yield
    }) : () -> ()
    %barrier3A = arith.constant 0 : index
    tpu.barrier barrier_id(%barrier3A)
    %dma_start3A = arith.constant 0 : i32
    %dma_start3A_23 = arith.constant 0 : i32
    %dma_start3A_24 = tpu.memref_slice %arg6[%dma_start3A, %dma_start3A_23] : memref<80x128xi32, #tpu.memory_space<vmem>> -> memref<1x128xi32, #tpu.memory_space<vmem>>
    %dma_start3A_25 = tpu.memref_squeeze %dma_start3A_24 : memref<1x128xi32, #tpu.memory_space<vmem>> -> memref<128xi32, #tpu.memory_space<vmem>>
    %dma_start3A_26 = arith.constant 0 : i32
    %dma_start3A_27 = arith.constant 0 : i32
    %dma_start3A_28 = tpu.memref_slice %arg15[%dma_start3A_26, %dma_start3A_27] : memref<10112x64xf32, #tpu.memory_space<vmem_shared>> -> memref<10112x64xf32, #tpu.memory_space<vmem_shared>>
    tpu.enqueue_indirect_dma source(%dma_start3A_28 : memref<10112x64xf32, #tpu.memory_space<vmem_shared>>) target(%arg8 : memref<128x64xf32, #tpu.memory_space<vmem>>) offsets(%dma_start3A_25 : memref<128xi32, #tpu.memory_space<vmem>>) semaphore(%arg10 : memref<!tpu.dma_semaphore, #tpu.memory_space<semaphore_mem>>)
    %dma_start3A_29 = arith.constant 1 : i32
    %dma_start3A_30 = arith.constant 0 : i32
    %dma_start3A_31 = tpu.memref_slice %arg6[%dma_start3A_29, %dma_start3A_30] : memref<80x128xi32, #tpu.memory_space<vmem>> -> memref<1x128xi32, #tpu.memory_space<vmem>>
    %dma_start3A_32 = tpu.memref_squeeze %dma_start3A_31 : memref<1x128xi32, #tpu.memory_space<vmem>> -> memref<128xi32, #tpu.memory_space<vmem>>
    %dma_start3A_33 = arith.constant 0 : i32
    %dma_start3A_34 = arith.constant 0 : i32
    %dma_start3A_35 = tpu.memref_slice %arg15[%dma_start3A_33, %dma_start3A_34] : memref<10112x64xf32, #tpu.memory_space<vmem_shared>> -> memref<10112x64xf32, #tpu.memory_space<vmem_shared>>
    tpu.enqueue_indirect_dma source(%dma_start3A_35 : memref<10112x64xf32, #tpu.memory_space<vmem_shared>>) target(%arg9 : memref<128x64xf32, #tpu.memory_space<vmem>>) offsets(%dma_start3A_32 : memref<128xi32, #tpu.memory_space<vmem>>) semaphore(%arg11 : memref<!tpu.dma_semaphore, #tpu.memory_space<semaphore_mem>>)
    %scan3A_36 = arith.constant 0 : i32
    %scan3A_37 = arith.constant 40 : i32
    %scan3A_38 = arith.addi %scan3A_36, %scan3A_37 : i32
    %scan3A_39 = arith.constant 1 : i32
    scf.for %scan3A_42 = %scan3A_36 to %scan3A_38 step %scan3A_39  : i32 {
      %mul3A_43 = arith.constant 2 : i32
      %mul3A_44 = arith.muli %scan3A_42, %mul3A_43 : i32
      %add3A_45 = arith.constant 0 : i32
      %add3A_46 = arith.addi %add3A_45, %mul3A_44 : i32
      %add3A_47 = arith.constant 0 : i32
      %add3A_48 = arith.addi %add3A_46, %add3A_47 : i32
      %dma_wait3A = arith.constant 0 : i32
      %dma_wait3A_49 = tpu.memref_slice %arg6[%add3A_48, %dma_wait3A] : memref<80x128xi32, #tpu.memory_space<vmem>> -> memref<1x128xi32, #tpu.memory_space<vmem>>
      %dma_wait3A_50 = tpu.memref_squeeze %dma_wait3A_49 : memref<1x128xi32, #tpu.memory_space<vmem>> -> memref<128xi32, #tpu.memory_space<vmem>>
      %dma_wait3A_51 = arith.constant 0 : i32
      %dma_wait3A_52 = arith.constant 0 : i32
      %dma_wait3A_53 = tpu.memref_slice %arg15[%dma_wait3A_51, %dma_wait3A_52] : memref<10112x64xf32, #tpu.memory_space<vmem_shared>> -> memref<10112x64xf32, #tpu.memory_space<vmem_shared>>
      tpu.wait_indirect_dma semaphore(%arg10 : memref<!tpu.dma_semaphore, #tpu.memory_space<semaphore_mem>>) src(%dma_wait3A_53 : memref<10112x64xf32, #tpu.memory_space<vmem_shared>>) dst(%arg8 : memref<128x64xf32, #tpu.memory_space<vmem>>)
      %add3A_54 = arith.constant 0 : i32
      %add3A_55 = arith.addi %add3A_46, %add3A_54 : i32
      %dma_start3A_56 = arith.constant 0 : i32
      %dma_start3A_57 = tpu.memref_slice %arg7[%add3A_55, %dma_start3A_56] : memref<80x128xi32, #tpu.memory_space<vmem>> -> memref<1x128xi32, #tpu.memory_space<vmem>>
      %dma_start3A_58 = tpu.memref_squeeze %dma_start3A_57 : memref<1x128xi32, #tpu.memory_space<vmem>> -> memref<128xi32, #tpu.memory_space<vmem>>
      %dma_start3A_59 = arith.constant 0 : i32
      %dma_start3A_60 = arith.constant 0 : i32
      %dma_start3A_61 = tpu.memref_slice %arg16[%dma_start3A_59, %dma_start3A_60] : memref<10112x64xf32, #tpu.memory_space<vmem_shared>> -> memref<10112x64xf32, #tpu.memory_space<vmem_shared>>
      tpu.enqueue_indirect_dma source(%arg8 : memref<128x64xf32, #tpu.memory_space<vmem>>) target(%dma_start3A_61 : memref<10112x64xf32, #tpu.memory_space<vmem_shared>>) offsets(%dma_start3A_58 : memref<128xi32, #tpu.memory_space<vmem>>) semaphore(%arg12 : memref<!tpu.dma_semaphore, #tpu.memory_space<semaphore_mem>>) {add = true}
      %add3A_62 = arith.constant 1 : i32
      %add3A_63 = arith.addi %add3A_46, %add3A_62 : i32
      %dma_wait3A_64 = arith.constant 0 : i32
      %dma_wait3A_65 = tpu.memref_slice %arg6[%add3A_63, %dma_wait3A_64] : memref<80x128xi32, #tpu.memory_space<vmem>> -> memref<1x128xi32, #tpu.memory_space<vmem>>
      %dma_wait3A_66 = tpu.memref_squeeze %dma_wait3A_65 : memref<1x128xi32, #tpu.memory_space<vmem>> -> memref<128xi32, #tpu.memory_space<vmem>>
      %dma_wait3A_67 = arith.constant 0 : i32
      %dma_wait3A_68 = arith.constant 0 : i32
      %dma_wait3A_69 = tpu.memref_slice %arg15[%dma_wait3A_67, %dma_wait3A_68] : memref<10112x64xf32, #tpu.memory_space<vmem_shared>> -> memref<10112x64xf32, #tpu.memory_space<vmem_shared>>
      tpu.wait_indirect_dma semaphore(%arg11 : memref<!tpu.dma_semaphore, #tpu.memory_space<semaphore_mem>>) src(%dma_wait3A_69 : memref<10112x64xf32, #tpu.memory_space<vmem_shared>>) dst(%arg9 : memref<128x64xf32, #tpu.memory_space<vmem>>)
      %add3A_70 = arith.constant 1 : i32
      %add3A_71 = arith.addi %add3A_46, %add3A_70 : i32
      %dma_start3A_72 = arith.constant 0 : i32
      %dma_start3A_73 = tpu.memref_slice %arg7[%add3A_71, %dma_start3A_72] : memref<80x128xi32, #tpu.memory_space<vmem>> -> memref<1x128xi32, #tpu.memory_space<vmem>>
      %dma_start3A_74 = tpu.memref_squeeze %dma_start3A_73 : memref<1x128xi32, #tpu.memory_space<vmem>> -> memref<128xi32, #tpu.memory_space<vmem>>
      %dma_start3A_75 = arith.constant 0 : i32
      %dma_start3A_76 = arith.constant 0 : i32
      %dma_start3A_77 = tpu.memref_slice %arg16[%dma_start3A_75, %dma_start3A_76] : memref<10112x64xf32, #tpu.memory_space<vmem_shared>> -> memref<10112x64xf32, #tpu.memory_space<vmem_shared>>
      tpu.enqueue_indirect_dma source(%arg9 : memref<128x64xf32, #tpu.memory_space<vmem>>) target(%dma_start3A_77 : memref<10112x64xf32, #tpu.memory_space<vmem_shared>>) offsets(%dma_start3A_74 : memref<128xi32, #tpu.memory_space<vmem>>) semaphore(%arg13 : memref<!tpu.dma_semaphore, #tpu.memory_space<semaphore_mem>>) {add = true}
      %add3A_78 = arith.constant 0 : i32
      %add3A_79 = arith.addi %add3A_46, %add3A_78 : i32
      %dma_wait3A_80 = arith.constant 0 : i32
      %dma_wait3A_81 = tpu.memref_slice %arg7[%add3A_79, %dma_wait3A_80] : memref<80x128xi32, #tpu.memory_space<vmem>> -> memref<1x128xi32, #tpu.memory_space<vmem>>
      %dma_wait3A_82 = tpu.memref_squeeze %dma_wait3A_81 : memref<1x128xi32, #tpu.memory_space<vmem>> -> memref<128xi32, #tpu.memory_space<vmem>>
      %dma_wait3A_83 = arith.constant 0 : i32
      %dma_wait3A_84 = arith.constant 0 : i32
      %dma_wait3A_85 = tpu.memref_slice %arg16[%dma_wait3A_83, %dma_wait3A_84] : memref<10112x64xf32, #tpu.memory_space<vmem_shared>> -> memref<10112x64xf32, #tpu.memory_space<vmem_shared>>
      tpu.wait_indirect_dma semaphore(%arg12 : memref<!tpu.dma_semaphore, #tpu.memory_space<semaphore_mem>>) src(%arg8 : memref<128x64xf32, #tpu.memory_space<vmem>>) dst(%dma_wait3A_85 : memref<10112x64xf32, #tpu.memory_space<vmem_shared>>)
      %add3A_86 = arith.constant 2 : i32
      %add3A_87 = arith.addi %add3A_46, %add3A_86 : i32
      %add3A_88 = arith.constant 0 : i32
      %add3A_89 = arith.addi %add3A_87, %add3A_88 : i32
      %lt3A = arith.constant 80 : i32
      %lt3A_90 = arith.cmpi slt, %add3A_89, %lt3A : i32
      %convert_element_type3A = arith.extui %lt3A_90 : i1 to i32
      %cond3A = arith.constant 0 : i32
      %cond3A_91 = arith.cmpi ne, %convert_element_type3A, %cond3A : i32
      scf.if %cond3A_91 {
        %add3A_109 = arith.constant 2 : i32
        %add3A_110 = arith.addi %add3A_46, %add3A_109 : i32
        %add3A_111 = arith.constant 0 : i32
        %add3A_112 = arith.addi %add3A_110, %add3A_111 : i32
        %dma_start3A_113 = arith.constant 0 : i32
        %dma_start3A_114 = tpu.memref_slice %arg6[%add3A_112, %dma_start3A_113] : memref<80x128xi32, #tpu.memory_space<vmem>> -> memref<1x128xi32, #tpu.memory_space<vmem>>
        %dma_start3A_115 = tpu.memref_squeeze %dma_start3A_114 : memref<1x128xi32, #tpu.memory_space<vmem>> -> memref<128xi32, #tpu.memory_space<vmem>>
        %dma_start3A_116 = arith.constant 0 : i32
        %dma_start3A_117 = arith.constant 0 : i32
        %dma_start3A_118 = tpu.memref_slice %arg15[%dma_start3A_116, %dma_start3A_117] : memref<10112x64xf32, #tpu.memory_space<vmem_shared>> -> memref<10112x64xf32, #tpu.memory_space<vmem_shared>>
        tpu.enqueue_indirect_dma source(%dma_start3A_118 : memref<10112x64xf32, #tpu.memory_space<vmem_shared>>) target(%arg8 : memref<128x64xf32, #tpu.memory_space<vmem>>) offsets(%dma_start3A_115 : memref<128xi32, #tpu.memory_space<vmem>>) semaphore(%arg10 : memref<!tpu.dma_semaphore, #tpu.memory_space<semaphore_mem>>)
      } else {
      }
      %add3A_92 = arith.constant 1 : i32
      %add3A_93 = arith.addi %add3A_46, %add3A_92 : i32
      %dma_wait3A_94 = arith.constant 0 : i32
      %dma_wait3A_95 = tpu.memref_slice %arg7[%add3A_93, %dma_wait3A_94] : memref<80x128xi32, #tpu.memory_space<vmem>> -> memref<1x128xi32, #tpu.memory_space<vmem>>
      %dma_wait3A_96 = tpu.memref_squeeze %dma_wait3A_95 : memref<1x128xi32, #tpu.memory_space<vmem>> -> memref<128xi32, #tpu.memory_space<vmem>>
      %dma_wait3A_97 = arith.constant 0 : i32
      %dma_wait3A_98 = arith.constant 0 : i32
      %dma_wait3A_99 = tpu.memref_slice %arg16[%dma_wait3A_97, %dma_wait3A_98] : memref<10112x64xf32, #tpu.memory_space<vmem_shared>> -> memref<10112x64xf32, #tpu.memory_space<vmem_shared>>
      tpu.wait_indirect_dma semaphore(%arg13 : memref<!tpu.dma_semaphore, #tpu.memory_space<semaphore_mem>>) src(%arg9 : memref<128x64xf32, #tpu.memory_space<vmem>>) dst(%dma_wait3A_99 : memref<10112x64xf32, #tpu.memory_space<vmem_shared>>)
      %add3A_100 = arith.constant 2 : i32
      %add3A_101 = arith.addi %add3A_46, %add3A_100 : i32
      %add3A_102 = arith.constant 1 : i32
      %add3A_103 = arith.addi %add3A_101, %add3A_102 : i32
      %lt3A_104 = arith.constant 80 : i32
      %lt3A_105 = arith.cmpi slt, %add3A_103, %lt3A_104 : i32
      %convert_element_type3A_106 = arith.extui %lt3A_105 : i1 to i32
      %cond3A_107 = arith.constant 0 : i32
      %cond3A_108 = arith.cmpi ne, %convert_element_type3A_106, %cond3A_107 : i32
      scf.if %cond3A_108 {
        %add3A_109 = arith.constant 2 : i32
        %add3A_110 = arith.addi %add3A_46, %add3A_109 : i32
        %add3A_111 = arith.constant 1 : i32
        %add3A_112 = arith.addi %add3A_110, %add3A_111 : i32
        %dma_start3A_113 = arith.constant 0 : i32
        %dma_start3A_114 = tpu.memref_slice %arg6[%add3A_112, %dma_start3A_113] : memref<80x128xi32, #tpu.memory_space<vmem>> -> memref<1x128xi32, #tpu.memory_space<vmem>>
        %dma_start3A_115 = tpu.memref_squeeze %dma_start3A_114 : memref<1x128xi32, #tpu.memory_space<vmem>> -> memref<128xi32, #tpu.memory_space<vmem>>
        %dma_start3A_116 = arith.constant 0 : i32
        %dma_start3A_117 = arith.constant 0 : i32
        %dma_start3A_118 = tpu.memref_slice %arg15[%dma_start3A_116, %dma_start3A_117] : memref<10112x64xf32, #tpu.memory_space<vmem_shared>> -> memref<10112x64xf32, #tpu.memory_space<vmem_shared>>
        tpu.enqueue_indirect_dma source(%dma_start3A_118 : memref<10112x64xf32, #tpu.memory_space<vmem_shared>>) target(%arg9 : memref<128x64xf32, #tpu.memory_space<vmem>>) offsets(%dma_start3A_115 : memref<128xi32, #tpu.memory_space<vmem>>) semaphore(%arg11 : memref<!tpu.dma_semaphore, #tpu.memory_space<semaphore_mem>>)
      } else {
      }
    }
    %scan3A_40 = arith.constant 40 : i32
    %barrier3A_41 = arith.constant 0 : index
    tpu.barrier barrier_id(%barrier3A_41)
    "tpu.region"() ({
      %run_scoped3A = tpu.sem_alloc : memref<!tpu.dma_semaphore, #tpu.memory_space<semaphore_mem>>
      %dma_start3A_42 = arith.constant 0 : i32
      %dma_start3A_43 = tpu.memref_slice %arg5[%arg0, %mul3A_2, %dma_start3A_42] : memref<2x10112x64xf32, #tpu.memory_space<hbm>> -> memref<1x632x64xf32, #tpu.memory_space<hbm>>
      %dma_start3A_44 = tpu.memref_squeeze %dma_start3A_43 : memref<1x632x64xf32, #tpu.memory_space<hbm>> -> memref<632x64xf32, #tpu.memory_space<hbm>>
      %dma_start3A_45 = arith.constant 0 : i32
      %dma_start3A_46 = tpu.memref_slice %arg16[%mul3A_2, %dma_start3A_45] : memref<10112x64xf32, #tpu.memory_space<vmem_shared>> -> memref<632x64xf32, #tpu.memory_space<vmem_shared>>
      tpu.enqueue_dma source(%dma_start3A_46 : memref<632x64xf32, #tpu.memory_space<vmem_shared>>) target(%dma_start3A_44 : memref<632x64xf32, #tpu.memory_space<hbm>>) target_semaphore(%run_scoped3A : memref<!tpu.dma_semaphore, #tpu.memory_space<semaphore_mem>>)
      %dma_wait3A = arith.constant 0 : i32
      %dma_wait3A_47 = tpu.memref_slice %arg5[%arg0, %mul3A_2, %dma_wait3A] : memref<2x10112x64xf32, #tpu.memory_space<hbm>> -> memref<1x632x64xf32, #tpu.memory_space<hbm>>
      %dma_wait3A_48 = tpu.memref_squeeze %dma_wait3A_47 : memref<1x632x64xf32, #tpu.memory_space<hbm>> -> memref<632x64xf32, #tpu.memory_space<hbm>>
      %dma_wait3A_49 = arith.constant 0 : i32
      %dma_wait3A_50 = tpu.memref_slice %arg16[%mul3A_2, %dma_wait3A_49] : memref<10112x64xf32, #tpu.memory_space<vmem_shared>> -> memref<632x64xf32, #tpu.memory_space<vmem_shared>>
      tpu.wait_dma2 semaphore(%run_scoped3A : memref<!tpu.dma_semaphore, #tpu.memory_space<semaphore_mem>>) src(%dma_wait3A_50 : memref<632x64xf32, #tpu.memory_space<vmem_shared>>) dst(%dma_wait3A_48 : memref<632x64xf32, #tpu.memory_space<hbm>>)
      tpu.yield
    }) : () -> ()
    return
  }
}

#map = affine_map<(d0, d1) -> (0, 0)>
#map1 = affine_map<(d0, d1) -> (0, 0, 0)>
module attributes {stable_mosaic.version = 14 : i64} {
  func.func @_deg_body(%arg0: i32, %arg1: i32, %arg2: memref<2560x128xi32, #tpu.memory_space<hbm>>, %arg3: memref<2x10112x16xf32, #tpu.memory_space<hbm>>, %arg4: memref<80x128xi32, #tpu.memory_space<vmem>>, %arg5: memref<128x16xf32, #tpu.memory_space<vmem>>, %arg6: memref<128x16xf32, #tpu.memory_space<vmem>>, %arg7: memref<10112x16xf32, #tpu.memory_space<vmem_shared>>) attributes {dimension_semantics = [#tpu.dimension_semantics<core_parallel>, #tpu.dimension_semantics<subcore_parallel>], iteration_bounds = array<i64: 2, 16>, scalar_prefetch = 0 : i64, scratch_operands = 4 : i64, tpu.core_type = #tpu.core_type<sc_vector_subcore>, window_params = [{transform_indices = #map}, {transform_indices = #map1}]} {
    %mul3A = arith.constant 16 : i32
    %mul3A_0 = arith.muli %arg0, %mul3A : i32
    %add3A = arith.addi %mul3A_0, %arg1 : i32
    %scan3A = arith.constant 0 : i32
    %scan3A_1 = arith.constant 128 : i32
    %scan3A_2 = arith.addi %scan3A, %scan3A_1 : i32
    %scan3A_3 = arith.constant 1 : i32
    scf.for %scan3A_25 = %scan3A to %scan3A_2 step %scan3A_3  : i32 {
      %mul3A_26 = arith.constant 1 : i32
      %mul3A_27 = arith.muli %scan3A_25, %mul3A_26 : i32
      %add3A_28 = arith.constant 0 : i32
      %add3A_29 = arith.addi %add3A_28, %mul3A_27 : i32
      %broadcast_in_dim3A = arith.constant 1.000000e+00 : f32
      %broadcast_in_dim3A_30 = vector.broadcast %broadcast_in_dim3A : f32 to vector<16xf32>
      %swap3A = arith.index_cast %add3A_29 : i32 to index
      %swap3A_31 = arith.constant 0 : index
      %swap3A_32 = tpu.vector_load %arg5[%swap3A, %swap3A_31] {strides = array<i32>} : memref<128x16xf32, #tpu.memory_space<vmem>>, vector<1x16xf32>,
      %swap3A_33 = vector.shape_cast %swap3A_32 : vector<1x16xf32> to vector<16xf32>
      %swap3A_34 = vector.shape_cast %broadcast_in_dim3A_30 : vector<16xf32> to vector<1x16xf32>
      tpu.vector_store %arg5[%swap3A, %swap3A_31], %swap3A_34 {strides = array<i32>} : memref<128x16xf32, #tpu.memory_space<vmem>>, vector<1x16xf32>,
      %broadcast_in_dim3A_35 = arith.constant 0.000000e+00 : f32
      %broadcast_in_dim3A_36 = vector.broadcast %broadcast_in_dim3A_35 : f32 to vector<16xf32>
      %swap3A_37 = arith.index_cast %add3A_29 : i32 to index
      %swap3A_38 = arith.constant 0 : index
      %swap3A_39 = tpu.vector_load %arg6[%swap3A_37, %swap3A_38] {strides = array<i32>} : memref<128x16xf32, #tpu.memory_space<vmem>>, vector<1x16xf32>,
      %swap3A_40 = vector.shape_cast %swap3A_39 : vector<1x16xf32> to vector<16xf32>
      %swap3A_41 = vector.shape_cast %broadcast_in_dim3A_36 : vector<16xf32> to vector<1x16xf32>
      tpu.vector_store %arg6[%swap3A_37, %swap3A_38], %swap3A_41 {strides = array<i32>} : memref<128x16xf32, #tpu.memory_space<vmem>>, vector<1x16xf32>,
    }
    %scan3A_4 = arith.constant 128 : i32
    %mul3A_5 = arith.constant 632 : i32
    %mul3A_6 = arith.muli %arg1, %mul3A_5 : i32
    %add3A_7 = arith.constant 0 : i32
    %add3A_8 = arith.addi %mul3A_6, %add3A_7 : i32
    "tpu.region"() ({
      %run_scoped3A = tpu.sem_alloc : memref<!tpu.dma_semaphore, #tpu.memory_space<semaphore_mem>>
      %dma_start3A = arith.constant 0 : i32
      %dma_start3A_25 = tpu.memref_slice %arg7[%add3A_8, %dma_start3A] : memref<10112x16xf32, #tpu.memory_space<vmem_shared>> -> memref<128x16xf32, #tpu.memory_space<vmem_shared>>
      %dma_start3A_26 = arith.constant 0 : i32
      %dma_start3A_27 = tpu.memref_slice %arg7[%add3A_8, %dma_start3A_26] : memref<10112x16xf32, #tpu.memory_space<vmem_shared>> -> memref<128x16xf32, #tpu.memory_space<vmem_shared>>
      tpu.enqueue_dma source(%arg6 : memref<128x16xf32, #tpu.memory_space<vmem>>) target(%dma_start3A_27 : memref<128x16xf32, #tpu.memory_space<vmem_shared>>) target_semaphore(%run_scoped3A : memref<!tpu.dma_semaphore, #tpu.memory_space<semaphore_mem>>)
      %dma_wait3A = arith.constant 0 : i32
      %dma_wait3A_28 = tpu.memref_slice %arg7[%add3A_8, %dma_wait3A] : memref<10112x16xf32, #tpu.memory_space<vmem_shared>> -> memref<128x16xf32, #tpu.memory_space<vmem_shared>>
      %dma_wait3A_29 = arith.constant 0 : i32
      %dma_wait3A_30 = tpu.memref_slice %arg7[%add3A_8, %dma_wait3A_29] : memref<10112x16xf32, #tpu.memory_space<vmem_shared>> -> memref<128x16xf32, #tpu.memory_space<vmem_shared>>
      tpu.wait_dma2 semaphore(%run_scoped3A : memref<!tpu.dma_semaphore, #tpu.memory_space<semaphore_mem>>) src(%arg6 : memref<128x16xf32, #tpu.memory_space<vmem>>) dst(%dma_wait3A_30 : memref<128x16xf32, #tpu.memory_space<vmem_shared>>)
      tpu.yield
    }) : () -> ()
    %add3A_9 = arith.constant 128 : i32
    %add3A_10 = arith.addi %mul3A_6, %add3A_9 : i32
    "tpu.region"() ({
      %run_scoped3A = tpu.sem_alloc : memref<!tpu.dma_semaphore, #tpu.memory_space<semaphore_mem>>
      %dma_start3A = arith.constant 0 : i32
      %dma_start3A_25 = tpu.memref_slice %arg7[%add3A_10, %dma_start3A] : memref<10112x16xf32, #tpu.memory_space<vmem_shared>> -> memref<128x16xf32, #tpu.memory_space<vmem_shared>>
      %dma_start3A_26 = arith.constant 0 : i32
      %dma_start3A_27 = tpu.memref_slice %arg7[%add3A_10, %dma_start3A_26] : memref<10112x16xf32, #tpu.memory_space<vmem_shared>> -> memref<128x16xf32, #tpu.memory_space<vmem_shared>>
      tpu.enqueue_dma source(%arg6 : memref<128x16xf32, #tpu.memory_space<vmem>>) target(%dma_start3A_27 : memref<128x16xf32, #tpu.memory_space<vmem_shared>>) target_semaphore(%run_scoped3A : memref<!tpu.dma_semaphore, #tpu.memory_space<semaphore_mem>>)
      %dma_wait3A = arith.constant 0 : i32
      %dma_wait3A_28 = tpu.memref_slice %arg7[%add3A_10, %dma_wait3A] : memref<10112x16xf32, #tpu.memory_space<vmem_shared>> -> memref<128x16xf32, #tpu.memory_space<vmem_shared>>
      %dma_wait3A_29 = arith.constant 0 : i32
      %dma_wait3A_30 = tpu.memref_slice %arg7[%add3A_10, %dma_wait3A_29] : memref<10112x16xf32, #tpu.memory_space<vmem_shared>> -> memref<128x16xf32, #tpu.memory_space<vmem_shared>>
      tpu.wait_dma2 semaphore(%run_scoped3A : memref<!tpu.dma_semaphore, #tpu.memory_space<semaphore_mem>>) src(%arg6 : memref<128x16xf32, #tpu.memory_space<vmem>>) dst(%dma_wait3A_30 : memref<128x16xf32, #tpu.memory_space<vmem_shared>>)
      tpu.yield
    }) : () -> ()
    %add3A_11 = arith.constant 256 : i32
    %add3A_12 = arith.addi %mul3A_6, %add3A_11 : i32
    "tpu.region"() ({
      %run_scoped3A = tpu.sem_alloc : memref<!tpu.dma_semaphore, #tpu.memory_space<semaphore_mem>>
      %dma_start3A = arith.constant 0 : i32
      %dma_start3A_25 = tpu.memref_slice %arg7[%add3A_12, %dma_start3A] : memref<10112x16xf32, #tpu.memory_space<vmem_shared>> -> memref<128x16xf32, #tpu.memory_space<vmem_shared>>
      %dma_start3A_26 = arith.constant 0 : i32
      %dma_start3A_27 = tpu.memref_slice %arg7[%add3A_12, %dma_start3A_26] : memref<10112x16xf32, #tpu.memory_space<vmem_shared>> -> memref<128x16xf32, #tpu.memory_space<vmem_shared>>
      tpu.enqueue_dma source(%arg6 : memref<128x16xf32, #tpu.memory_space<vmem>>) target(%dma_start3A_27 : memref<128x16xf32, #tpu.memory_space<vmem_shared>>) target_semaphore(%run_scoped3A : memref<!tpu.dma_semaphore, #tpu.memory_space<semaphore_mem>>)
      %dma_wait3A = arith.constant 0 : i32
      %dma_wait3A_28 = tpu.memref_slice %arg7[%add3A_12, %dma_wait3A] : memref<10112x16xf32, #tpu.memory_space<vmem_shared>> -> memref<128x16xf32, #tpu.memory_space<vmem_shared>>
      %dma_wait3A_29 = arith.constant 0 : i32
      %dma_wait3A_30 = tpu.memref_slice %arg7[%add3A_12, %dma_wait3A_29] : memref<10112x16xf32, #tpu.memory_space<vmem_shared>> -> memref<128x16xf32, #tpu.memory_space<vmem_shared>>
      tpu.wait_dma2 semaphore(%run_scoped3A : memref<!tpu.dma_semaphore, #tpu.memory_space<semaphore_mem>>) src(%arg6 : memref<128x16xf32, #tpu.memory_space<vmem>>) dst(%dma_wait3A_30 : memref<128x16xf32, #tpu.memory_space<vmem_shared>>)
      tpu.yield
    }) : () -> ()
    %add3A_13 = arith.constant 384 : i32
    %add3A_14 = arith.addi %mul3A_6, %add3A_13 : i32
    "tpu.region"() ({
      %run_scoped3A = tpu.sem_alloc : memref<!tpu.dma_semaphore, #tpu.memory_space<semaphore_mem>>
      %dma_start3A = arith.constant 0 : i32
      %dma_start3A_25 = tpu.memref_slice %arg7[%add3A_14, %dma_start3A] : memref<10112x16xf32, #tpu.memory_space<vmem_shared>> -> memref<128x16xf32, #tpu.memory_space<vmem_shared>>
      %dma_start3A_26 = arith.constant 0 : i32
      %dma_start3A_27 = tpu.memref_slice %arg7[%add3A_14, %dma_start3A_26] : memref<10112x16xf32, #tpu.memory_space<vmem_shared>> -> memref<128x16xf32, #tpu.memory_space<vmem_shared>>
      tpu.enqueue_dma source(%arg6 : memref<128x16xf32, #tpu.memory_space<vmem>>) target(%dma_start3A_27 : memref<128x16xf32, #tpu.memory_space<vmem_shared>>) target_semaphore(%run_scoped3A : memref<!tpu.dma_semaphore, #tpu.memory_space<semaphore_mem>>)
      %dma_wait3A = arith.constant 0 : i32
      %dma_wait3A_28 = tpu.memref_slice %arg7[%add3A_14, %dma_wait3A] : memref<10112x16xf32, #tpu.memory_space<vmem_shared>> -> memref<128x16xf32, #tpu.memory_space<vmem_shared>>
      %dma_wait3A_29 = arith.constant 0 : i32
      %dma_wait3A_30 = tpu.memref_slice %arg7[%add3A_14, %dma_wait3A_29] : memref<10112x16xf32, #tpu.memory_space<vmem_shared>> -> memref<128x16xf32, #tpu.memory_space<vmem_shared>>
      tpu.wait_dma2 semaphore(%run_scoped3A : memref<!tpu.dma_semaphore, #tpu.memory_space<semaphore_mem>>) src(%arg6 : memref<128x16xf32, #tpu.memory_space<vmem>>) dst(%dma_wait3A_30 : memref<128x16xf32, #tpu.memory_space<vmem_shared>>)
      tpu.yield
    }) : () -> ()
    %add3A_15 = arith.constant 512 : i32
    %add3A_16 = arith.addi %mul3A_6, %add3A_15 : i32
    "tpu.region"() ({
      %run_scoped3A = tpu.sem_alloc : memref<!tpu.dma_semaphore, #tpu.memory_space<semaphore_mem>>
      %dma_start3A = arith.constant 0 : i32
      %dma_start3A_25 = arith.constant 0 : i32
      %dma_start3A_26 = tpu.memref_slice %arg6[%dma_start3A, %dma_start3A_25] : memref<128x16xf32, #tpu.memory_space<vmem>> -> memref<120x16xf32, #tpu.memory_space<vmem>>
      %dma_start3A_27 = arith.constant 0 : i32
      %dma_start3A_28 = tpu.memref_slice %arg7[%add3A_16, %dma_start3A_27] : memref<10112x16xf32, #tpu.memory_space<vmem_shared>> -> memref<120x16xf32, #tpu.memory_space<vmem_shared>>
      %dma_start3A_29 = arith.constant 0 : i32
      %dma_start3A_30 = tpu.memref_slice %arg7[%add3A_16, %dma_start3A_29] : memref<10112x16xf32, #tpu.memory_space<vmem_shared>> -> memref<120x16xf32, #tpu.memory_space<vmem_shared>>
      %dma_start3A_31 = arith.constant 0 : i32
      %dma_start3A_32 = arith.constant 0 : i32
      %dma_start3A_33 = tpu.memref_slice %arg6[%dma_start3A_31, %dma_start3A_32] : memref<128x16xf32, #tpu.memory_space<vmem>> -> memref<120x16xf32, #tpu.memory_space<vmem>>
      tpu.enqueue_dma source(%dma_start3A_33 : memref<120x16xf32, #tpu.memory_space<vmem>>) target(%dma_start3A_30 : memref<120x16xf32, #tpu.memory_space<vmem_shared>>) target_semaphore(%run_scoped3A : memref<!tpu.dma_semaphore, #tpu.memory_space<semaphore_mem>>)
      %dma_wait3A = arith.constant 0 : i32
      %dma_wait3A_34 = arith.constant 0 : i32
      %dma_wait3A_35 = tpu.memref_slice %arg6[%dma_wait3A, %dma_wait3A_34] : memref<128x16xf32, #tpu.memory_space<vmem>> -> memref<120x16xf32, #tpu.memory_space<vmem>>
      %dma_wait3A_36 = arith.constant 0 : i32
      %dma_wait3A_37 = tpu.memref_slice %arg7[%add3A_16, %dma_wait3A_36] : memref<10112x16xf32, #tpu.memory_space<vmem_shared>> -> memref<120x16xf32, #tpu.memory_space<vmem_shared>>
      %dma_wait3A_38 = arith.constant 0 : i32
      %dma_wait3A_39 = tpu.memref_slice %arg7[%add3A_16, %dma_wait3A_38] : memref<10112x16xf32, #tpu.memory_space<vmem_shared>> -> memref<120x16xf32, #tpu.memory_space<vmem_shared>>
      %dma_wait3A_40 = arith.constant 0 : i32
      %dma_wait3A_41 = arith.constant 0 : i32
      %dma_wait3A_42 = tpu.memref_slice %arg6[%dma_wait3A_40, %dma_wait3A_41] : memref<128x16xf32, #tpu.memory_space<vmem>> -> memref<120x16xf32, #tpu.memory_space<vmem>>
      tpu.wait_dma2 semaphore(%run_scoped3A : memref<!tpu.dma_semaphore, #tpu.memory_space<semaphore_mem>>) src(%dma_wait3A_42 : memref<120x16xf32, #tpu.memory_space<vmem>>) dst(%dma_wait3A_39 : memref<120x16xf32, #tpu.memory_space<vmem_shared>>)
      tpu.yield
    }) : () -> ()
    %mul3A_17 = arith.constant 80 : i32
    %mul3A_18 = arith.muli %add3A, %mul3A_17 : i32
    "tpu.region"() ({
      %run_scoped3A = tpu.sem_alloc : memref<!tpu.dma_semaphore, #tpu.memory_space<semaphore_mem>>
      %dma_start3A = arith.constant 0 : i32
      %dma_start3A_25 = tpu.memref_slice %arg2[%mul3A_18, %dma_start3A] : memref<2560x128xi32, #tpu.memory_space<hbm>> -> memref<80x128xi32, #tpu.memory_space<hbm>>
      %dma_start3A_26 = arith.constant 0 : i32
      %dma_start3A_27 = tpu.memref_slice %arg2[%mul3A_18, %dma_start3A_26] : memref<2560x128xi32, #tpu.memory_space<hbm>> -> memref<80x128xi32, #tpu.memory_space<hbm>>
      tpu.enqueue_dma source(%dma_start3A_27 : memref<80x128xi32, #tpu.memory_space<hbm>>) target(%arg4 : memref<80x128xi32, #tpu.memory_space<vmem>>) target_semaphore(%run_scoped3A : memref<!tpu.dma_semaphore, #tpu.memory_space<semaphore_mem>>)
      %dma_wait3A = arith.constant 0 : i32
      %dma_wait3A_28 = tpu.memref_slice %arg2[%mul3A_18, %dma_wait3A] : memref<2560x128xi32, #tpu.memory_space<hbm>> -> memref<80x128xi32, #tpu.memory_space<hbm>>
      %dma_wait3A_29 = arith.constant 0 : i32
      %dma_wait3A_30 = tpu.memref_slice %arg2[%mul3A_18, %dma_wait3A_29] : memref<2560x128xi32, #tpu.memory_space<hbm>> -> memref<80x128xi32, #tpu.memory_space<hbm>>
      tpu.wait_dma2 semaphore(%run_scoped3A : memref<!tpu.dma_semaphore, #tpu.memory_space<semaphore_mem>>) src(%dma_wait3A_30 : memref<80x128xi32, #tpu.memory_space<hbm>>) dst(%arg4 : memref<80x128xi32, #tpu.memory_space<vmem>>)
      tpu.yield
    }) : () -> ()
    %barrier3A = arith.constant 0 : index
    tpu.barrier barrier_id(%barrier3A)
    %scan3A_19 = arith.constant 0 : i32
    %scan3A_20 = arith.constant 80 : i32
    %scan3A_21 = arith.addi %scan3A_19, %scan3A_20 : i32
    %scan3A_22 = arith.constant 1 : i32
    scf.for %scan3A_25 = %scan3A_19 to %scan3A_21 step %scan3A_22  : i32 {
      %mul3A_26 = arith.constant 1 : i32
      %mul3A_27 = arith.muli %scan3A_25, %mul3A_26 : i32
      %add3A_28 = arith.constant 0 : i32
      %add3A_29 = arith.addi %add3A_28, %mul3A_27 : i32
      "tpu.region"() ({
        %run_scoped3A = tpu.sem_alloc : memref<!tpu.dma_semaphore, #tpu.memory_space<semaphore_mem>>
        %dma_start3A = arith.constant 0 : i32
        %dma_start3A_30 = tpu.memref_slice %arg4[%add3A_29, %dma_start3A] : memref<80x128xi32, #tpu.memory_space<vmem>> -> memref<1x128xi32, #tpu.memory_space<vmem>>
        %dma_start3A_31 = tpu.memref_squeeze %dma_start3A_30 : memref<1x128xi32, #tpu.memory_space<vmem>> -> memref<128xi32, #tpu.memory_space<vmem>>
        %dma_start3A_32 = arith.constant 0 : i32
        %dma_start3A_33 = arith.constant 0 : i32
        %dma_start3A_34 = tpu.memref_slice %arg7[%dma_start3A_32, %dma_start3A_33] : memref<10112x16xf32, #tpu.memory_space<vmem_shared>> -> memref<10112x16xf32, #tpu.memory_space<vmem_shared>>
        tpu.enqueue_indirect_dma source(%arg5 : memref<128x16xf32, #tpu.memory_space<vmem>>) target(%dma_start3A_34 : memref<10112x16xf32, #tpu.memory_space<vmem_shared>>) offsets(%dma_start3A_31 : memref<128xi32, #tpu.memory_space<vmem>>) semaphore(%run_scoped3A : memref<!tpu.dma_semaphore, #tpu.memory_space<semaphore_mem>>) {add = true}
        %dma_wait3A = arith.constant 0 : i32
        %dma_wait3A_35 = tpu.memref_slice %arg4[%add3A_29, %dma_wait3A] : memref<80x128xi32, #tpu.memory_space<vmem>> -> memref<1x128xi32, #tpu.memory_space<vmem>>
        %dma_wait3A_36 = tpu.memref_squeeze %dma_wait3A_35 : memref<1x128xi32, #tpu.memory_space<vmem>> -> memref<128xi32, #tpu.memory_space<vmem>>
        %dma_wait3A_37 = arith.constant 0 : i32
        %dma_wait3A_38 = arith.constant 0 : i32
        %dma_wait3A_39 = tpu.memref_slice %arg7[%dma_wait3A_37, %dma_wait3A_38] : memref<10112x16xf32, #tpu.memory_space<vmem_shared>> -> memref<10112x16xf32, #tpu.memory_space<vmem_shared>>
        tpu.wait_indirect_dma semaphore(%run_scoped3A : memref<!tpu.dma_semaphore, #tpu.memory_space<semaphore_mem>>) src(%arg5 : memref<128x16xf32, #tpu.memory_space<vmem>>) dst(%dma_wait3A_39 : memref<10112x16xf32, #tpu.memory_space<vmem_shared>>)
        tpu.yield
      }) : () -> ()
    }
    %scan3A_23 = arith.constant 80 : i32
    %barrier3A_24 = arith.constant 0 : index
    tpu.barrier barrier_id(%barrier3A_24)
    "tpu.region"() ({
      %run_scoped3A = tpu.sem_alloc : memref<!tpu.dma_semaphore, #tpu.memory_space<semaphore_mem>>
      %dma_start3A = arith.constant 0 : i32
      %dma_start3A_25 = tpu.memref_slice %arg3[%arg0, %mul3A_6, %dma_start3A] : memref<2x10112x16xf32, #tpu.memory_space<hbm>> -> memref<1x632x16xf32, #tpu.memory_space<hbm>>
      %dma_start3A_26 = tpu.memref_squeeze %dma_start3A_25 : memref<1x632x16xf32, #tpu.memory_space<hbm>> -> memref<632x16xf32, #tpu.memory_space<hbm>>
      %dma_start3A_27 = arith.constant 0 : i32
      %dma_start3A_28 = tpu.memref_slice %arg7[%mul3A_6, %dma_start3A_27] : memref<10112x16xf32, #tpu.memory_space<vmem_shared>> -> memref<632x16xf32, #tpu.memory_space<vmem_shared>>
      tpu.enqueue_dma source(%dma_start3A_28 : memref<632x16xf32, #tpu.memory_space<vmem_shared>>) target(%dma_start3A_26 : memref<632x16xf32, #tpu.memory_space<hbm>>) target_semaphore(%run_scoped3A : memref<!tpu.dma_semaphore, #tpu.memory_space<semaphore_mem>>)
      %dma_wait3A = arith.constant 0 : i32
      %dma_wait3A_29 = tpu.memref_slice %arg3[%arg0, %mul3A_6, %dma_wait3A] : memref<2x10112x16xf32, #tpu.memory_space<hbm>> -> memref<1x632x16xf32, #tpu.memory_space<hbm>>
      %dma_wait3A_30 = tpu.memref_squeeze %dma_wait3A_29 : memref<1x632x16xf32, #tpu.memory_space<hbm>> -> memref<632x16xf32, #tpu.memory_space<hbm>>
      %dma_wait3A_31 = arith.constant 0 : i32
      %dma_wait3A_32 = tpu.memref_slice %arg7[%mul3A_6, %dma_wait3A_31] : memref<10112x16xf32, #tpu.memory_space<vmem_shared>> -> memref<632x16xf32, #tpu.memory_space<vmem_shared>>
      tpu.wait_dma2 semaphore(%run_scoped3A : memref<!tpu.dma_semaphore, #tpu.memory_space<semaphore_mem>>) src(%dma_wait3A_32 : memref<632x16xf32, #tpu.memory_space<vmem_shared>>) dst(%dma_wait3A_30 : memref<632x16xf32, #tpu.memory_space<hbm>>)
      tpu.yield
    }) : () -> ()
    return
  }
}

module attributes {stable_mosaic.version = 14 : i64} {
  func.func @body(%arg0: i32, %arg1: memref<632x128xf32, #tpu.memory_space<vmem>>, %arg2: memref<2x632x16xf32, #tpu.memory_space<vmem>>, %arg3: memref<128x64xf32, #tpu.memory_space<vmem>>, %arg4: memref<632x64xf32, #tpu.memory_space<vmem>>) attributes {dimension_semantics = [#tpu.dimension_semantics<arbitrary>], iteration_bounds = array<i64: 16>, scalar_prefetch = 0 : i64, scratch_operands = 0 : i64, tpu.core_type = #tpu.core_type<tc>, window_params = [{transform_indices = @transform_0, window_bounds = array<i64: 632, 128>}, {transform_indices = @transform_1, window_bounds = array<i64: 2, 632, 16>}, {pipeline_mode = #tpu.pipeline_mode<synchronous>, transform_indices = @transform_2, window_bounds = array<i64: 128, 64>}, {transform_indices = @transform_3, window_bounds = array<i64: 632, 64>}]} {
    %get3A = arith.constant 0 : index
    %get3A_0 = arith.constant 0 : index
    %get3A_1 = arith.constant 0 : index
    %get3A_2 = vector.load %arg2[%get3A, %get3A_0, %get3A_1] : memref<2x632x16xf32, #tpu.memory_space<vmem>>, vector<1x632x1xf32>
    %get3A_3 = vector.shape_cast %get3A_2 : vector<1x632x1xf32> to vector<632x1xf32>
    %get3A_4 = arith.constant 1 : index
    %get3A_5 = arith.constant 0 : index
    %get3A_6 = arith.constant 0 : index
    %get3A_7 = vector.load %arg2[%get3A_4, %get3A_5, %get3A_6] : memref<2x632x16xf32, #tpu.memory_space<vmem>>, vector<1x632x1xf32>
    %get3A_8 = vector.shape_cast %get3A_7 : vector<1x632x1xf32> to vector<632x1xf32>
    %add3A = arith.addf %get3A_3, %get3A_8 : vector<632x1xf32>
    %add3A_9 = arith.constant 1.000000e+00 : f32
    %add3A_10 = vector.broadcast %add3A_9 : f32 to vector<632x1xf32>
    %add3A_11 = arith.addf %add3A, %add3A_10 : vector<632x1xf32>
    %rsqrt3A = math.rsqrt %add3A_11 : vector<632x1xf32>
    %get3A_12 = arith.constant 0 : index
    %get3A_13 = arith.constant 0 : index
    %get3A_14 = vector.load %arg1[%get3A_12, %get3A_13] : memref<632x128xf32, #tpu.memory_space<vmem>>, vector<632x128xf32>
    %mul3A = vector.broadcast %rsqrt3A : vector<632x1xf32> to vector<632x128xf32>
    %mul3A_15 = arith.mulf %get3A_14, %mul3A : vector<632x128xf32>
    %get3A_16 = arith.constant 0 : index
    %get3A_17 = arith.constant 0 : index
    %get3A_18 = vector.load %arg3[%get3A_16, %get3A_17] : memref<128x64xf32, #tpu.memory_space<vmem>>, vector<128x64xf32>
    %dot_general3A = arith.constant dense<0.000000e+00> : vector<632x64xf32>
    %dot_general3A_19 = tpu.matmul %mul3A_15, %get3A_18, %dot_general3A {dimension_numbers = #tpu.dot_dimension_numbers<[1], [0], [0], [1], [0, 0, 1, 1], [], []>, precision = #tpu.contract_precision<fp32>, transpose_lhs_hint = false} : vector<632x128xf32>, vector<128x64xf32>, vector<632x64xf32> -> vector<632x64xf32>
    %swap3A = arith.constant 0 : index
    %swap3A_20 = arith.constant 0 : index
    %swap3A_21 = vector.load %arg4[%swap3A, %swap3A_20] : memref<632x64xf32, #tpu.memory_space<vmem>>, vector<632x64xf32>
    tpu.vector_store %arg4[%swap3A, %swap3A_20], %dot_general3A_19 {strides = array<i32>} : memref<632x64xf32, #tpu.memory_space<vmem>>, vector<632x64xf32>,
    return
  }
  func.func @transform_0(%arg0: i32) -> (i32, i32) {
    %c0_i32 = arith.constant 0 : i32
    %c0_i32_0 = arith.constant 0 : i32
    return %arg0, %c0_i32 : i32, i32
  }
  func.func @transform_1(%arg0: i32) -> (i32, i32, i32) {
    %c0_i32 = arith.constant 0 : i32
    %c0_i32_0 = arith.constant 0 : i32
    %c0_i32_1 = arith.constant 0 : i32
    return %c0_i32, %arg0, %c0_i32_0 : i32, i32, i32
  }
  func.func @transform_2(%arg0: i32) -> (i32, i32) {
    %c0_i32 = arith.constant 0 : i32
    %c0_i32_0 = arith.constant 0 : i32
    %c0_i32_1 = arith.constant 0 : i32
    return %c0_i32, %c0_i32_0 : i32, i32
  }
  func.func @transform_3(%arg0: i32) -> (i32, i32) {
    %c0_i32 = arith.constant 0 : i32
    %c0_i32_0 = arith.constant 0 : i32
    return %arg0, %c0_i32 : i32, i32
  }
}

module attributes {stable_mosaic.version = 14 : i64} {
  func.func @body(%arg0: i32, %arg1: memref<2x632x64xf32, #tpu.memory_space<vmem>>, %arg2: memref<632x64xf32, #tpu.memory_space<vmem>>, %arg3: memref<2x632x16xf32, #tpu.memory_space<vmem>>, %arg4: memref<1x64xf32, #tpu.memory_space<vmem>>, %arg5: memref<64x64xf32, #tpu.memory_space<vmem>>, %arg6: memref<632x64xf32, #tpu.memory_space<vmem>>) attributes {dimension_semantics = [#tpu.dimension_semantics<arbitrary>], iteration_bounds = array<i64: 16>, scalar_prefetch = 0 : i64, scratch_operands = 0 : i64, tpu.core_type = #tpu.core_type<tc>, window_params = [{transform_indices = @transform_0, window_bounds = array<i64: 2, 632, 64>}, {transform_indices = @transform_1, window_bounds = array<i64: 632, 64>}, {transform_indices = @transform_2, window_bounds = array<i64: 2, 632, 16>}, {pipeline_mode = #tpu.pipeline_mode<synchronous>, transform_indices = @transform_3, window_bounds = array<i64: 1, 64>}, {pipeline_mode = #tpu.pipeline_mode<synchronous>, transform_indices = @transform_4, window_bounds = array<i64: 64, 64>}, {transform_indices = @transform_5, window_bounds = array<i64: 632, 64>}]} {
    %get3A = arith.constant 0 : index
    %get3A_0 = arith.constant 0 : index
    %get3A_1 = arith.constant 0 : index
    %get3A_2 = vector.load %arg3[%get3A, %get3A_0, %get3A_1] : memref<2x632x16xf32, #tpu.memory_space<vmem>>, vector<1x632x1xf32>
    %get3A_3 = vector.shape_cast %get3A_2 : vector<1x632x1xf32> to vector<632x1xf32>
    %get3A_4 = arith.constant 1 : index
    %get3A_5 = arith.constant 0 : index
    %get3A_6 = arith.constant 0 : index
    %get3A_7 = vector.load %arg3[%get3A_4, %get3A_5, %get3A_6] : memref<2x632x16xf32, #tpu.memory_space<vmem>>, vector<1x632x1xf32>
    %get3A_8 = vector.shape_cast %get3A_7 : vector<1x632x1xf32> to vector<632x1xf32>
    %add3A = arith.addf %get3A_3, %get3A_8 : vector<632x1xf32>
    %add3A_9 = arith.constant 1.000000e+00 : f32
    %add3A_10 = vector.broadcast %add3A_9 : f32 to vector<632x1xf32>
    %add3A_11 = arith.addf %add3A, %add3A_10 : vector<632x1xf32>
    %rsqrt3A = math.rsqrt %add3A_11 : vector<632x1xf32>
    %get3A_12 = arith.constant 0 : index
    %get3A_13 = arith.constant 0 : index
    %get3A_14 = arith.constant 0 : index
    %get3A_15 = vector.load %arg1[%get3A_12, %get3A_13, %get3A_14] : memref<2x632x64xf32, #tpu.memory_space<vmem>>, vector<1x632x64xf32>
    %get3A_16 = vector.shape_cast %get3A_15 : vector<1x632x64xf32> to vector<632x64xf32>
    %get3A_17 = arith.constant 1 : index
    %get3A_18 = arith.constant 0 : index
    %get3A_19 = arith.constant 0 : index
    %get3A_20 = vector.load %arg1[%get3A_17, %get3A_18, %get3A_19] : memref<2x632x64xf32, #tpu.memory_space<vmem>>, vector<1x632x64xf32>
    %get3A_21 = vector.shape_cast %get3A_20 : vector<1x632x64xf32> to vector<632x64xf32>
    %add3A_22 = arith.addf %get3A_16, %get3A_21 : vector<632x64xf32>
    %get3A_23 = arith.constant 0 : index
    %get3A_24 = arith.constant 0 : index
    %get3A_25 = vector.load %arg2[%get3A_23, %get3A_24] : memref<632x64xf32, #tpu.memory_space<vmem>>, vector<632x64xf32>
    %add3A_26 = arith.addf %add3A_22, %get3A_25 : vector<632x64xf32>
    %mul3A = vector.broadcast %rsqrt3A : vector<632x1xf32> to vector<632x64xf32>
    %mul3A_27 = arith.mulf %add3A_26, %mul3A : vector<632x64xf32>
    %get3A_28 = arith.constant 0 : index
    %get3A_29 = arith.constant 0 : index
    %get3A_30 = vector.load %arg4[%get3A_28, %get3A_29] : memref<1x64xf32, #tpu.memory_space<vmem>>, vector<1x64xf32>
    %add3A_31 = vector.broadcast %get3A_30 : vector<1x64xf32> to vector<632x64xf32>
    %add3A_32 = arith.addf %mul3A_27, %add3A_31 : vector<632x64xf32>
    %max3A = arith.constant 0.000000e+00 : f32
    %max3A_33 = vector.broadcast %max3A : f32 to vector<632x64xf32>
    %max3A_34 = arith.maximumf %add3A_32, %max3A_33 : vector<632x64xf32>
    %get3A_35 = arith.constant 0 : index
    %get3A_36 = arith.constant 0 : index
    %get3A_37 = vector.load %arg5[%get3A_35, %get3A_36] : memref<64x64xf32, #tpu.memory_space<vmem>>, vector<64x64xf32>
    %dot_general3A = arith.constant dense<0.000000e+00> : vector<632x64xf32>
    %dot_general3A_38 = tpu.matmul %max3A_34, %get3A_37, %dot_general3A {dimension_numbers = #tpu.dot_dimension_numbers<[1], [0], [0], [1], [0, 0, 1, 1], [], []>, precision = #tpu.contract_precision<fp32>, transpose_lhs_hint = false} : vector<632x64xf32>, vector<64x64xf32>, vector<632x64xf32> -> vector<632x64xf32>
    %mul3A_39 = vector.broadcast %rsqrt3A : vector<632x1xf32> to vector<632x64xf32>
    %mul3A_40 = arith.mulf %dot_general3A_38, %mul3A_39 : vector<632x64xf32>
    %swap3A = arith.constant 0 : index
    %swap3A_41 = arith.constant 0 : index
    %swap3A_42 = vector.load %arg6[%swap3A, %swap3A_41] : memref<632x64xf32, #tpu.memory_space<vmem>>, vector<632x64xf32>
    tpu.vector_store %arg6[%swap3A, %swap3A_41], %mul3A_40 {strides = array<i32>} : memref<632x64xf32, #tpu.memory_space<vmem>>, vector<632x64xf32>,
    return
  }
  func.func @transform_0(%arg0: i32) -> (i32, i32, i32) {
    %c0_i32 = arith.constant 0 : i32
    %c0_i32_0 = arith.constant 0 : i32
    %c0_i32_1 = arith.constant 0 : i32
    return %c0_i32, %arg0, %c0_i32_0 : i32, i32, i32
  }
  func.func @transform_1(%arg0: i32) -> (i32, i32) {
    %c0_i32 = arith.constant 0 : i32
    %c0_i32_0 = arith.constant 0 : i32
    return %arg0, %c0_i32 : i32, i32
  }
  func.func @transform_2(%arg0: i32) -> (i32, i32, i32) {
    %c0_i32 = arith.constant 0 : i32
    %c0_i32_0 = arith.constant 0 : i32
    %c0_i32_1 = arith.constant 0 : i32
    return %c0_i32, %arg0, %c0_i32_0 : i32, i32, i32
  }
  func.func @transform_3(%arg0: i32) -> (i32, i32) {
    %c0_i32 = arith.constant 0 : i32
    %c0_i32_0 = arith.constant 0 : i32
    %c0_i32_1 = arith.constant 0 : i32
    return %c0_i32, %c0_i32_0 : i32, i32
  }
  func.func @transform_4(%arg0: i32) -> (i32, i32) {
    %c0_i32 = arith.constant 0 : i32
    %c0_i32_0 = arith.constant 0 : i32
    %c0_i32_1 = arith.constant 0 : i32
    return %c0_i32, %c0_i32_0 : i32, i32
  }
  func.func @transform_5(%arg0: i32) -> (i32, i32) {
    %c0_i32 = arith.constant 0 : i32
    %c0_i32_0 = arith.constant 0 : i32
    return %arg0, %c0_i32 : i32, i32
  }
}

module attributes {stable_mosaic.version = 14 : i64} {
  func.func @body(%arg0: i32, %arg1: memref<2x2000x64xf32, #tpu.memory_space<vmem>>, %arg2: memref<2000x64xf32, #tpu.memory_space<vmem>>, %arg3: memref<2x2000x16xf32, #tpu.memory_space<vmem>>, %arg4: memref<1x64xf32, #tpu.memory_space<vmem>>, %arg5: memref<2000x64xf32, #tpu.memory_space<vmem>>) attributes {dimension_semantics = [#tpu.dimension_semantics<arbitrary>], iteration_bounds = array<i64: 5>, scalar_prefetch = 0 : i64, scratch_operands = 0 : i64, tpu.core_type = #tpu.core_type<tc>, window_params = [{transform_indices = @transform_0, window_bounds = array<i64: 2, 2000, 64>}, {transform_indices = @transform_1, window_bounds = array<i64: 2000, 64>}, {transform_indices = @transform_2, window_bounds = array<i64: 2, 2000, 16>}, {pipeline_mode = #tpu.pipeline_mode<synchronous>, transform_indices = @transform_3, window_bounds = array<i64: 1, 64>}, {transform_indices = @transform_4, window_bounds = array<i64: 2000, 64>}]} {
    %get3A = arith.constant 0 : index
    %get3A_0 = arith.constant 0 : index
    %get3A_1 = arith.constant 0 : index
    %get3A_2 = vector.load %arg3[%get3A, %get3A_0, %get3A_1] : memref<2x2000x16xf32, #tpu.memory_space<vmem>>, vector<1x2000x1xf32>
    %get3A_3 = vector.shape_cast %get3A_2 : vector<1x2000x1xf32> to vector<2000x1xf32>
    %get3A_4 = arith.constant 1 : index
    %get3A_5 = arith.constant 0 : index
    %get3A_6 = arith.constant 0 : index
    %get3A_7 = vector.load %arg3[%get3A_4, %get3A_5, %get3A_6] : memref<2x2000x16xf32, #tpu.memory_space<vmem>>, vector<1x2000x1xf32>
    %get3A_8 = vector.shape_cast %get3A_7 : vector<1x2000x1xf32> to vector<2000x1xf32>
    %add3A = arith.addf %get3A_3, %get3A_8 : vector<2000x1xf32>
    %add3A_9 = arith.constant 1.000000e+00 : f32
    %add3A_10 = vector.broadcast %add3A_9 : f32 to vector<2000x1xf32>
    %add3A_11 = arith.addf %add3A, %add3A_10 : vector<2000x1xf32>
    %rsqrt3A = math.rsqrt %add3A_11 : vector<2000x1xf32>
    %get3A_12 = arith.constant 0 : index
    %get3A_13 = arith.constant 0 : index
    %get3A_14 = arith.constant 0 : index
    %get3A_15 = vector.load %arg1[%get3A_12, %get3A_13, %get3A_14] : memref<2x2000x64xf32, #tpu.memory_space<vmem>>, vector<1x2000x64xf32>
    %get3A_16 = vector.shape_cast %get3A_15 : vector<1x2000x64xf32> to vector<2000x64xf32>
    %get3A_17 = arith.constant 1 : index
    %get3A_18 = arith.constant 0 : index
    %get3A_19 = arith.constant 0 : index
    %get3A_20 = vector.load %arg1[%get3A_17, %get3A_18, %get3A_19] : memref<2x2000x64xf32, #tpu.memory_space<vmem>>, vector<1x2000x64xf32>
    %get3A_21 = vector.shape_cast %get3A_20 : vector<1x2000x64xf32> to vector<2000x64xf32>
    %add3A_22 = arith.addf %get3A_16, %get3A_21 : vector<2000x64xf32>
    %get3A_23 = arith.constant 0 : index
    %get3A_24 = arith.constant 0 : index
    %get3A_25 = vector.load %arg2[%get3A_23, %get3A_24] : memref<2000x64xf32, #tpu.memory_space<vmem>>, vector<2000x64xf32>
    %add3A_26 = arith.addf %add3A_22, %get3A_25 : vector<2000x64xf32>
    %mul3A = vector.broadcast %rsqrt3A : vector<2000x1xf32> to vector<2000x64xf32>
    %mul3A_27 = arith.mulf %add3A_26, %mul3A : vector<2000x64xf32>
    %get3A_28 = arith.constant 0 : index
    %get3A_29 = arith.constant 0 : index
    %get3A_30 = vector.load %arg4[%get3A_28, %get3A_29] : memref<1x64xf32, #tpu.memory_space<vmem>>, vector<1x64xf32>
    %add3A_31 = vector.broadcast %get3A_30 : vector<1x64xf32> to vector<2000x64xf32>
    %add3A_32 = arith.addf %mul3A_27, %add3A_31 : vector<2000x64xf32>
    %reduce_max3A = arith.constant dense<0xFF800000> : vector<2000xf32>
    %reduce_max3A_33 = vector.multi_reduction <maximumf>, %add3A_32, %reduce_max3A [1] : vector<2000x64xf32> to vector<2000xf32>
    %broadcast_in_dim3A = vector.shape_cast %reduce_max3A_33 : vector<2000xf32> to vector<2000x1xf32>
    %sub3A = vector.broadcast %broadcast_in_dim3A : vector<2000x1xf32> to vector<2000x64xf32>
    %sub3A_34 = arith.subf %add3A_32, %sub3A : vector<2000x64xf32>
    %exp3A = math.exp %sub3A_34 : vector<2000x64xf32>
    %reduce_sum3A = arith.constant dense<0.000000e+00> : vector<2000xf32>
    %reduce_sum3A_35 = vector.multi_reduction <add>, %exp3A, %reduce_sum3A [1] : vector<2000x64xf32> to vector<2000xf32>
    %broadcast_in_dim3A_36 = vector.shape_cast %reduce_sum3A_35 : vector<2000xf32> to vector<2000x1xf32>
    %log3A = math.log %broadcast_in_dim3A_36 : vector<2000x1xf32>
    %add3A_37 = arith.addf %log3A, %broadcast_in_dim3A : vector<2000x1xf32>
    %sub3A_38 = vector.broadcast %add3A_37 : vector<2000x1xf32> to vector<2000x64xf32>
    %sub3A_39 = arith.subf %add3A_32, %sub3A_38 : vector<2000x64xf32>
    %swap3A = arith.constant 0 : index
    %swap3A_40 = arith.constant 0 : index
    %swap3A_41 = vector.load %arg5[%swap3A, %swap3A_40] : memref<2000x64xf32, #tpu.memory_space<vmem>>, vector<2000x64xf32>
    tpu.vector_store %arg5[%swap3A, %swap3A_40], %sub3A_39 {strides = array<i32>} : memref<2000x64xf32, #tpu.memory_space<vmem>>, vector<2000x64xf32>,
    return
  }
  func.func @transform_0(%arg0: i32) -> (i32, i32, i32) {
    %c0_i32 = arith.constant 0 : i32
    %c0_i32_0 = arith.constant 0 : i32
    %c0_i32_1 = arith.constant 0 : i32
    return %c0_i32, %arg0, %c0_i32_0 : i32, i32, i32
  }
  func.func @transform_1(%arg0: i32) -> (i32, i32) {
    %c0_i32 = arith.constant 0 : i32
    %c0_i32_0 = arith.constant 0 : i32
    return %arg0, %c0_i32 : i32, i32
  }
  func.func @transform_2(%arg0: i32) -> (i32, i32, i32) {
    %c0_i32 = arith.constant 0 : i32
    %c0_i32_0 = arith.constant 0 : i32
    %c0_i32_1 = arith.constant 0 : i32
    return %c0_i32, %arg0, %c0_i32_0 : i32, i32, i32
  }
  func.func @transform_3(%arg0: i32) -> (i32, i32) {
    %c0_i32 = arith.constant 0 : i32
    %c0_i32_0 = arith.constant 0 : i32
    %c0_i32_1 = arith.constant 0 : i32
    return %c0_i32, %c0_i32_0 : i32, i32
  }
  func.func @transform_4(%arg0: i32) -> (i32, i32) {
    %c0_i32 = arith.constant 0 : i32
    %c0_i32_0 = arith.constant 0 : i32
    return %arg0, %c0_i32 : i32, i32
  }
}

</mosaic_0001>

<sc_bundles>
// kernel: kernel.11.cloned.1.call-start
scs
__scs_entry_jumppad:
0x0: {  	(pc) =	sbr.rel $0x88, $3  }
0x1: {  	(tag) =	ssettag $0x0;
	lr =	simm.s32 $0x1  }
0x2: {  	[smem:$0x3F9B] =	sst lr;
	_ =	strace $0xD0000000  }
0x3: {  	_ = 	snop  }
0x4: {  	_ = 	snop  }
0x5: {  	_ = 	snop  }
0x6: {  	_ = 	snop  }
0x7: {  	_ = 	snop  }
__scs_overlays_trampoline_lowered:
0x8: {  	[smem:$0x3FAA] =	sst s0  }
0x9: {  	[smem:$0x3FAB] =	sst s1  }
0xa: {  	[smem:$0x3FAC] =	sst s2  }
0xb: {  	[smem:$0x3FAD] =	sst s3  }
0xc: {  	[smem:$0x3FAE] =	sst s4  }
0xd: {  	[smem:$0x3FAF] =	sst s5  }
0xe: {  	[smem:$0x3FB0] =	sst s6  }
0xf: {  	[smem:$0x3FB1] =	sst s7  }
0x10: {  	[smem:$0x3FB2] =	sst s8  }
0x11: {  	[smem:$0x3FB3] =	sst s9;
	s0 =	simm.s32 @!p0 $0x0  }
0x12: {  	s1 =	sld [smem:$0x3F99];
	s0 =	simm.s32 @p0 $0x1  }
0x13: {  	[smem:$0x3FB4] =	sst s0;
	s0 =	simm.s32 @!p1 $0x0  }
0x14: {  	s2 =	sld [smem:$0x3F98];
	s0 =	simm.s32 @p1 $0x1  }
0x15: {  	[smem:$0x3FB5] =	sst s0;
	s0 =	simm.s32 @!p2 $0x0  }
0x16: {  	s3 =	sld [smem:$0x3FDB];
	s0 =	simm.s32 @p2 $0x1  }
0x17: {  	s4 =	simm.s32 $0x1BF5;
	[smem:$0x3FB7] =	sst s0  }
0x18: {  	s0 =	sld [smem:$0x3F9A];
	_ =	swait.ge [sflag:s4], $0x0  }
0x19: {  	s7 =	sld [smem:$0x3F9B]  }
0x1a: {  	s8 =	sadd.s32 $0xFFFFE003, lr  }
0x1b: {  	s9 =	sadd.s32 $0xFFFFFEF7, lr;
	s5 =	simm.s32 $0xFFFFFFFF;
	p2 =	slt.u32 s8, $0xFFFFF086  }
0x1c: {  	p1 =	slt.u32 s9, $0xF7A;
	s5 =	simm.s32 @!p2 $0x0  }
0x1d: {  	s5 =	simm.s32 @p1 $0x1;
	p0 =	seq.s32 s7, s2  }
0x1e: {  	s7 =	smul.u32 @!p0 $0xF7A, s2;
	p2 =	seq.s32 @!p0 s5, $0x0  }
0x1f: {  	s9 =	smul.u32 $0xF7A, s1;
	s8 =	simm.s32 @!p0 $0x1BF5;
	p2 =	por !p2, p0  }
0x20: {  	[sflag:s8] =	ssyncset.s32 @!p0 $0xFFFFF086;
	s6 =	sadd.s32 @!p0 s3, s7;
	s7 =	simm.s32 @!p0 $0x108  }
0x21: {  	s3 =	sadd.s32 s3, s9;
	s6 =	sadd.s32 @!p0 $0x88, s6;
	s7 =	simm.s32 @p2 $0x1082  }
0x22: {  	[simem:s7], [sflag:s8] =	dma.local @!p0 [hbm:s6], $0xF7A  }
0x23: {  	s9 =	sor.u32 $0xD0000000, s2;
	s6 =	simm.s32 $0x108;
	_ =	swait.ge @!p0 [sflag:s8], $0x0  }
0x24: {  	s3 =	sadd.s32 $0x88, s3;
	s6 =	simm.s32 @!p1 $0x1082;
	[sflag:s4] =	ssyncset.s32 $0xFFFFF086  }
0x25: {  	[simem:s6], [sflag:s4] =	dma.local [hbm:s3], $0xF7A  }
0x26: {  	[smem:$0x3F9B] =	sst s1;
	(tag) =	ssettag s2;
	_ =	strace s9  }
0x27: {  	s1 =	sld [smem:$0x3FAB]  }
0x28: {  	s2 =	sld [smem:$0x3FAC]  }
0x29: {  	s4 =	sld [smem:$0x3FAE]  }
0x2a: {  	p0 =	seq.s32 s5, $0x0;
	s5 =	sld [smem:$0x3FAF]  }
0x2b: {  	s6 =	sld [smem:$0x3FB0]  }
0x2c: {  	s7 =	sld [smem:$0x3FB1]  }
0x2d: {  	s3 =	simm.s32 $0x108;
	s8 =	sld [smem:$0x3FB2]  }
0x2e: {  	s3 =	simm.s32 @!p0 $0x1082;
	s9 =	sld [smem:$0x3FB3]  }
0x2f: {  	lr =	sadd.s32 s0, s3;
	s0 =	sld [smem:$0x3FAA]  }
0x30: {  	s3 =	sld [smem:$0x3FAD]  }
0x31: {  	[smem:$0x3FB6] =	sst s10  }
0x32: {  	s10 =	sld [smem:$0x3FB4];
	_ =	sdelay $0x3  }
0x33: {  	p0 =	seq.s32 s10, $0x1;
	s10 =	sld [smem:$0x3FB6];
	_ =	sdelay $0x3  }
0x34: {  	[smem:$0x3FB6] =	sst s10  }
0x35: {  	s10 =	sld [smem:$0x3FB5];
	_ =	sdelay $0x3  }
0x36: {  	p1 =	seq.s32 s10, $0x1;
	s10 =	sld [smem:$0x3FB6];
	_ =	sdelay $0x3  }
0x37: {  	[smem:$0x3FB6] =	sst s10  }
0x38: {  	s10 =	sld [smem:$0x3FB7]  }
0x39: {  	_ = 	snop;
	(pc) =	sbr.ind lr, $3  }
0x3a: {  	_ = 	snop  }
0x3b: {  	_ = 	snop  }
0x3c: {  	p2 =	seq.s32 s10, $0x1;
	s10 =	sld [smem:$0x3FB6]  }
0x3d: {  	_ =	shalt  }
0x3e: {  	_ =	shalt  }
0x3f: {  	_ =	shalt  }
0x40: {  	_ =	shalt  }
0x41: {  	_ =	shalt  }
0x42: {  	_ =	shalt  }
0x43: {  	_ =	shalt  }
0x44: {  	_ =	shalt  }
0x45: {  	_ =	shalt  }
0x46: {  	_ =	shalt  }
0x47: {  	_ =	shalt  }
0x48: {  	_ =	shalt  }
0x49: {  	_ =	shalt  }
0x4a: {  	_ =	shalt  }
0x4b: {  	_ =	shalt  }
0x4c: {  	_ =	shalt  }
0x4d: {  	_ =	shalt  }
0x4e: {  	_ =	shalt  }
0x4f: {  	_ =	shalt  }
0x50: {  	_ =	shalt  }
0x51: {  	_ =	shalt  }
0x52: {  	_ =	shalt  }
0x53: {  	_ =	shalt  }
0x54: {  	_ =	shalt  }
0x55: {  	_ =	shalt  }
0x56: {  	_ =	shalt  }
0x57: {  	_ =	shalt  }
0x58: {  	_ =	shalt  }
0x59: {  	_ =	shalt  }
0x5a: {  	_ =	shalt  }
0x5b: {  	_ =	shalt  }
0x5c: {  	_ =	shalt  }
0x5d: {  	_ =	shalt  }
0x5e: {  	_ =	shalt  }
0x5f: {  	_ =	shalt  }
0x60: {  	_ =	shalt  }
0x61: {  	_ =	shalt  }
0x62: {  	_ =	shalt  }
0x63: {  	_ =	shalt  }
0x64: {  	_ =	shalt  }
0x65: {  	_ =	shalt  }
0x66: {  	_ =	shalt  }
0x67: {  	_ =	shalt  }
0x68: {  	_ =	shalt  }
0x69: {  	_ =	shalt  }
0x6a: {  	_ =	shalt  }
0x6b: {  	_ =	shalt  }
0x6c: {  	_ =	shalt  }
0x6d: {  	_ =	shalt  }
0x6e: {  	_ =	shalt  }
0x6f: {  	_ =	shalt  }
0x70: {  	_ =	shalt  }
0x71: {  	_ =	shalt  }
0x72: {  	_ =	shalt  }
0x73: {  	_ =	shalt  }
0x74: {  	_ =	shalt  }
0x75: {  	_ =	shalt  }
0x76: {  	_ =	shalt  }
0x77: {  	_ =	shalt  }
0x78: {  	_ =	shalt  }
0x79: {  	_ =	shalt  }
0x7a: {  	_ =	shalt  }
0x7b: {  	_ =	shalt  }
0x7c: {  	_ =	shalt  }
0x7d: {  	_ =	shalt  }
0x7e: {  	_ =	shalt  }
0x7f: {  	_ =	shalt  }
0x80: {  	_ =	shalt  }
0x81: {  	_ =	shalt  }
0x82: {  	_ =	shalt  }
0x83: {  	_ =	shalt  }
0x84: {  	_ =	shalt  }
0x85: {  	_ =	shalt  }
0x86: {  	_ =	shalt  }
0x87: {  	_ =	shalt  }
.Lfunc_end0:
.L_simem_size_0:
called_computation.1_lowered:
.L_overlay_start_0:
0x88: {  	s2 =	sld [smem:$0x3FD9]  }
0x89: {  	s3 =	sld [smem:$0x3FFE];
	_ =	sdelay $0x1  }
0x8a: {  	s1 =	srdreg.scid  }
0x8b: {  	s0 =	sand.u32 $0x1, s1  }
0x8c: {  	s17 =	sshll.u32 s0, $0xA;
	s2 =	sadd.s32 s3, s2  }
0x8d: {  	s2 =	sadd.s32 s2, s17  }
0x8e: {  	[smem:$0x3FC2] =	sst s2  }
0x8f: {  	_ = 	snop  }
0x90: {  	s2 =	sld [smem:$0x3FD0];
	(tm) =	ssettm $0x1  }
0x91: {  	s18 =	sld [smem:$0x3FFB];
	_ =	sdelay $0x3  }
0x92: {  	_ =	strace s18  }
0x93: {  	s3 =	sld [smem:$0x3FFC];
	_ =	sdelay $0x3  }
0x94: {  	_ =	strace s3  }
0x95: {  	s3 =	sld [smem:$0x3FFD];
	_ =	sdelay $0x3  }
0x96: {  	_ =	strace s3  }
0x97: {  	_ =	strace $0x8FFFFFFF  }
0x98: {  	s19 =	sld [smem:$0x3FDB];
	_ =	sdelay $0x1  }
0x99: {  	s4 =	simm.s32 $_scs_section_size  }
0x9a: {  	s5 =	simm.s32 $_size__tile_overlayer_lowered;
	s6 =	simm.s32 $_tile_overlayer_lowered  }
0x9b: {  	s22 =	simm.s32 $0x1BFF;
	s21 =	sshll.u32 s6, $0x1;
	s3 =	sadd.s32 s4, s19  }
0x9c: {  	s7 =	simm.s32 $0x0;
	s20 =	sshll.u32 s5, $0x1;
	s5 =	sadd.s32 s21, s3  }
0x9d: {  	[timem:s7], [sflag:s22] =	dma.local [hbm:s5], s20  }
0x9e: {  	_ =	swait.ge [sflag:s22], s20  }
0x9f: {  	s4 =	ssub.s32 $0x0, s20;
	[sflag:s22] =	ssyncset.done $0x0  }
0xa0: {  	[sflag:s22] =	ssyncadd.s32 s4;
	_ =	sdelay $0x1  }
0xa1: {  	s23 =	simm.s32 $0x1B8B  }
0xa2: {  	_ =	swait.ge [sflag:s23], $0x1  }
0xa3: {  	[sflag:s23] =	ssyncset.done $0x0  }
0xa4: {  	s25 =	simm.s32 $0x1B8E;
	s24 =	sld [smem:$0x3FFE];
	[sflag:s23] =	ssyncadd.s32 $0xFFFFFFFF  }
0xa5: {  	s26 =	simm.s32 $execute0_lowered;
	[smem:$0x3FD2] =	sst s25  }
0xa6: {  	s5 =	sshll.u32 s26, $0x1;
	_ =	strace $0x80000049;
	[dreg:$0x1] =	wrdreg $0xFFFFFFFF  }
0xa7: {  	s28 =	simm.s32 $_size_execute0_lowered;
	s3 =	sadd.s32 s3, s5;
	[dreg:$0x0] =	wrdreg $0x0  }
0xa8: {  	s5 =	sshll.u32 s28, $0x1;
	[dreg:$0x2] =	wrdreg s3  }
0xa9: {  	[dreg:$0x3] =	wrdreg s5  }
0xaa: {  	[dreg:$0x4] =	wrdreg $0xC0  }
0xab: {  	_ =	task [dreg:s7], $0x5FFFF  }
0xac: {  	[dreg:$0x1] =	wrdreg $0xFFFFFFFF  }
0xad: {  	[dreg:$0x0] =	wrdreg $0x60  }
0xae: {  	[dreg:$0x2] =	wrdreg s2  }
0xaf: {  	[dreg:$0x3] =	wrdreg s24  }
0xb0: {  	[dreg:$0x4] =	wrdreg $0x14E000  }
0xb1: {  	[dreg:$0x5] =	wrdreg $0xB0000  }
0xb2: {  	[dreg:$0x6] =	wrdreg $0x9  }
0xb3: {  	_ =	task.clear_ibuf [dreg:s7], $0x7FFFF;
	_ =	strace $0x90000049  }
0xb4: {  	s29 =	simm.s32 $0x9;
	_ =	strace $0x8000004B  }
0xb5: {  	_ =	swait.ge [sflag:s29], $0x1  }
0xb6: {  	[sflag:s29] =	ssyncadd.s32 $0xFFFFFFFF  }
0xb7: {  	_ =	strace $0x9000004B  }
0xb8: {  	_ =	sfence  }
0xb9: {  	s30 =	sld [smem:$0x0];
	_ =	sdelay $0x2  }
0xba: {  	s31 =	sshll.u32 s1, $0xD;
	s1 =	sshrl.u32 s1, $0x2  }
0xbb: {  	s3 =	sand.u32 $0x4000, s31;
	s1 =	sadd.s32 s1, s30  }
0xbc: {  	s0 =	sor.u32 s3, s0;
	s1 =	sshll.u32 s1, $0x11  }
0xbd: {  	s0 =	sor.u32 s1, s0  }
0xbe: {  	s0 =	sadd.s32 $0x8F2B, s0  }
0xbf: {  	[sflag:s0] =	ssyncadd.remote.s32 $0x1  }
0xc0: {  	_ =	sfence.sel $0xFFFF  }
0xc1: {  	[dreg:$0x0] =	wrdreg $0xFFFFFFFF;
	(pc) =	sbr.abs _section_cstart, $3  }
0xc2: {  	[dreg:$0x1] =	wrdreg $0xFFFFFFFF  }
0xc3: {  	_ =	task.clear_ibuf [dreg:s7], $0x2FFFF;
	_ =	strace $0x9FFFFFFF  }
0xc4: {  	(tm) =	ssettm $0x7FFFFFFF  }
0xc5: {  	_ =	shalt  }
tec
execute0_lowered:
.L_overlay_start_1:
0x0: {  	(tag) =	ssettag $0x1  }
0x1: {  	s0 =	rddreg [dreg:$0x0]  }
0x2: {  	s5 =	rddreg [dreg:$0x1]  }
0x3: {  	s2 =	rddreg [dreg:$0x2]  }
0x4: {  	s4 =	srdreg.scid;
	s3 =	rddreg [dreg:$0x3]  }
0x5: {  	s1 =	stileid.u32;
	s16 =	simm.s32 $0x2800;
	s17 =	simm.s32 $0x9000  }
0x6: {  	s20 =	simm.s32 $0x80;
	s21 =	simm.s32 $0x5000;
	s22 =	simm.s32 $0x7000  }
0x7: {  	s23 =	simm.s32 $0x1;
	s24 =	simm.s32 $0x2;
	s28 =	simm.s32 $0x4F00  }
0x8: {  	s29 =	simm.s32 $0x4F80;
	s30 =	simm.s32 $0x0;
	s12 =	smul.u32 $0x9E00, s1  }
0x9: {  	s6 =	sand.u32 $0x1, s4;
	s4 =	simm.s32 $0x0;
	s9 =	smul.u32 $0x27800, s1  }
0xa: {  	s31 =	sshll.u32 s1, $0x6;
	s7 =	sshll.u32 s6, $0x4;
	s8 =	smul.u32 $0x9E000, s6  }
0xb: {  	[smem:$0x7FF] =	sst s4;
	s6 =	ssub.s32 $0x2, s6;
	s18 =	sor.u32 $0x1C05, s31  }
0xc: {  	s7 =	sor.u32 s1, s7;
	_ =	strace $0x8000004A;
	s25 =	sshrl.u32 s6, $0x1  }
0xd: {  	s26 =	sshrl.u32 s9, $0x2;
	s15 =	sshrl.u32 s12, $0x3;
	s19 =	sadd.s32 s12, s3  }
0xe: {  	s7 =	smul.u32 $0x500, s7;
	s8 =	sadd.s32 s12, s8;
	s14 =	ssub.s32 s6, s25  }
0xf: {  	s11 =	sadd.s32 s26, s2;
	s19 =	sshrl.u32 s19, $0x3;
	s25 =	simm.s32 $0x3  }
0x10: {  	s26 =	simm.s32 $0x4;
	s8 =	sshrl.u32 s8, $0x3;
	s9 =	sadd.s32 $0x4000, s11  }
0x11: {  	s10 =	sadd.s32 $0x6000, s11;
	s14 =	smax.u32 s14, $0x1;
	s7 =	sadd.s32 s7, s5  }
0x12: {  	s13 =	sadd.s32 s8, s5;
	s8 =	sadd.s32 $0x2000, s11;
	s11 =	sadd.s32 $0x8000, s11  }
0x13: {  	s5 =	sadd.s32 $0xBA00, s7;
	s6 =	sadd.s32 $0x1A00, s7;
	s7 =	sadd.s32 s12, s2  }
0x14: {  	v0 =	vimm.f32 $0.0e+00;
	s12 =	sadd.s32 s0, s15;
	s13 =	sadd.s32 $0x8C200, s13;
	s15 =	simm.s32 $0x5  }
.LBB2_1:
0x15: {  	[tilespmem:s4], [sflag:$0x5] =	stream.linear.gather [hbm4b:s5+s4], $0x2800, $0x38;
	[tilespmem:$0x1EC00] =	vst v63  }
0x16: {  	_ =	swait.ge [sflag:s15], $0x2800  }
0x17: {  	[sflag:s15] =	ssyncset.done $0x0  }
0x18: {  	[sflag:s15] =	ssyncadd.s32 $0xFFFFD800  }
0x19: {  	[tilespmem:s16], [sflag:$0x5] =	stream.linear.gather [hbm4b:s6+s4], $0x2800, $0x38;
	[tilespmem:$0x1EC00] =	vst v63  }
0x1a: {  	_ =	swait.ge [sflag:s15], $0x2800  }
0x1b: {  	[sflag:s15] =	ssyncset.done $0x0  }
0x1c: {  	s0 =	simm.s32 $0x100;
	s31 =	simm.s32 $0x0;
	[sflag:s15] =	ssyncadd.s32 $0xFFFFD800  }
.LBB2_2:
0x1d: {  	p0 =	sne.s32 s0, $0x7F00;
	[tilespmem:s31+$0x9030] =	vst v0;
	s1 =	smov.u32 s0;
	s0 =	sadd.s32 $0x100, s0  }
.Ltmp0:
0x1e: {  	[tilespmem:s31+$0x9020] =	vst v0;
	(pc) =	sbr.rel @p0 .LBB2_2-.Ltmp0, $3  }
0x1f: {  	[tilespmem:s31+$0x9000] =	vst v0  }
0x20: {  	[tilespmem:s31+$0x9010] =	vst v0;
	_ =	sdelay $0x1  }
0x21: {  	s31 =	sshra.s32 s1, $0x2  }
0x22: {  	[tilespmem:s31+$0x9030] =	vst v0  }
0x23: {  	[tilespmem:s31+$0x9020] =	vst v0  }
0x24: {  	[tilespmem:s31+$0x9000] =	vst v0  }
0x25: {  	[tilespmem:s31+$0x9010] =	vst v0  }
0x26: {  	[spmem:s7] =	stream.linear.scatter [tilespmem:s17], [sflag:$0x5], $0x2000, $0x38;
	[tilespmem:$0x1EC00] =	vst v63  }
0x27: {  	_ =	swait.ge [sflag:s15], $0x2000  }
0x28: {  	[sflag:s15] =	ssyncset.done $0x0  }
0x29: {  	[sflag:s15] =	ssyncadd.s32 $0xFFFFE000  }
0x2a: {  	[spmem:s8] =	stream.linear.scatter [tilespmem:s17], [sflag:$0x5], $0x2000, $0x38;
	[tilespmem:$0x1EC00] =	vst v63  }
0x2b: {  	_ =	swait.ge [sflag:s15], $0x2000  }
0x2c: {  	[sflag:s15] =	ssyncset.done $0x0  }
0x2d: {  	[sflag:s15] =	ssyncadd.s32 $0xFFFFE000  }
0x2e: {  	[spmem:s9] =	stream.linear.scatter [tilespmem:s17], [sflag:$0x5], $0x2000, $0x38;
	[tilespmem:$0x1EC00] =	vst v63  }
0x2f: {  	_ =	swait.ge [sflag:s15], $0x2000  }
0x30: {  	[sflag:s15] =	ssyncset.done $0x0  }
0x31: {  	[sflag:s15] =	ssyncadd.s32 $0xFFFFE000  }
0x32: {  	[spmem:s10] =	stream.linear.scatter [tilespmem:s17], [sflag:$0x5], $0x2000, $0x38;
	[tilespmem:$0x1EC00] =	vst v63  }
0x33: {  	_ =	swait.ge [sflag:s15], $0x2000  }
0x34: {  	[sflag:s15] =	ssyncset.done $0x0  }
0x35: {  	[sflag:s15] =	ssyncadd.s32 $0xFFFFE000  }
0x36: {  	[spmem:s11] =	stream.linear.scatter [tilespmem:s17], [sflag:$0x5], $0x1E00, $0x38;
	[tilespmem:$0x1EC00] =	vst v63  }
0x37: {  	_ =	swait.ge [sflag:s15], $0x1E00  }
0x38: {  	[sflag:s15] =	ssyncset.done $0x0  }
0x39: {  	[sflag:s15] =	ssyncadd.s32 $0xFFFFE200  }
0x3a: {  	[spmem:s19], [sflag:s18] =	dma.local [hbm:s12], $0x13C0  }
0x3b: {  	_ =	swait.ge [sflag:s15], $0x13C0  }
0x3c: {  	[sflag:s15] =	ssyncset.done $0x0  }
0x3d: {  	[sflag:s15] =	ssyncadd.s32 $0xFFFFEC40  }
0x3e: {  	s0 =	simm.s32 $0x0;
	[bflag:$0x0] =	sbarrier.arrive $0xFFFF  }
0x3f: {  	[tilespmem:s21], [sflag:$0x1] =	stream.indirect.gather [spmem:s3], $0x40, s0, s20, $0xb8;
	[tilespmem:$0x1EC00] =	vst v63  }
0x40: {  	_ = 	snop  }
0x41: {  	[tilespmem:s22], [sflag:$0x2] =	stream.indirect.gather [spmem:s3], $0x40, s20, s20, $0xb8;
	[tilespmem:$0x1EC00] =	vst v63  }
0x42: {  	_ =	swait.ge [sflag:s23], $0x2000  }
0x43: {  	[sflag:s23] =	ssyncset.done $0x0  }
0x44: {  	s1 =	simm.s32 $0x2800;
	[sflag:s23] =	ssyncadd.s32 $0xFFFFE000  }
0x45: {  	[spmem:s2] =	stream.indirect.scatter.add.f32 [tilespmem:s21], [sflag:$0x3], $0x40, s1, s20, $0xb8;
	[tilespmem:$0x1EC00] =	vst v63  }
0x46: {  	_ =	swait.ge [sflag:s24], $0x2000  }
0x47: {  	[sflag:s24] =	ssyncset.done $0x0  }
0x48: {  	s1 =	simm.s32 $0x2880;
	[sflag:s24] =	ssyncadd.s32 $0xFFFFE000  }
0x49: {  	[spmem:s2] =	stream.indirect.scatter.add.f32 [tilespmem:s22], [sflag:$0x4], $0x40, s1, s20, $0xb8;
	[tilespmem:$0x1EC00] =	vst v63  }
0x4a: {  	_ =	swait.ge [sflag:s25], $0x2000  }
0x4b: {  	[sflag:s25] =	ssyncset.done $0x0  }
0x4c: {  	s1 =	simm.s32 $0x100;
	[sflag:s25] =	ssyncadd.s32 $0xFFFFE000  }
0x4d: {  	[tilespmem:s21], [sflag:$0x1] =	stream.indirect.gather [spmem:s3], $0x40, s1, s20, $0xb8;
	[tilespmem:$0x1EC00] =	vst v63  }
0x4e: {  	_ =	swait.ge [sflag:s26], $0x2000  }
0x4f: {  	[sflag:s26] =	ssyncset.done $0x0  }
0x50: {  	s31 =	simm.s32 $0x400;
	s0 =	simm.s32 $0x180;
	[sflag:s26] =	ssyncadd.s32 $0xFFFFE000  }
.LBB2_4:
0x51: {  	[tilespmem:s22], [sflag:$0x2] =	stream.indirect.gather [spmem:s3], $0x40, s0, s20, $0xb8;
	[tilespmem:$0x1EC00] =	vst v63  }
0x52: {  	s0 =	smov.u32 s31  }
0x53: {  	p0 =	sne.s32 s31, $0x9800;
	s31 =	sadd.s32 $0x400, s31;
	_ =	swait.ge [sflag:s23], $0x2000  }
0x54: {  	s0 =	sshra.s32 s0, $0x2;
	[sflag:s23] =	ssyncset.done $0x0  }
0x55: {  	s1 =	sadd.s32 $0x2800, s0;
	[sflag:s23] =	ssyncadd.s32 $0xFFFFE000  }
0x56: {  	[spmem:s2] =	stream.indirect.scatter.add.f32 [tilespmem:s21], [sflag:$0x3], $0x40, s1, s20, $0xb8;
	[tilespmem:$0x1EC00] =	vst v63  }
0x57: {  	_ =	swait.ge [sflag:s24], $0x2000  }
0x58: {  	[sflag:s24] =	ssyncset.done $0x0  }
0x59: {  	s1 =	sadd.s32 $0x2880, s0;
	[sflag:s24] =	ssyncadd.s32 $0xFFFFE000  }
0x5a: {  	[spmem:s2] =	stream.indirect.scatter.add.f32 [tilespmem:s22], [sflag:$0x4], $0x40, s1, s20, $0xb8;
	[tilespmem:$0x1EC00] =	vst v63  }
0x5b: {  	_ =	swait.ge [sflag:s25], $0x2000  }
0x5c: {  	[sflag:s25] =	ssyncset.done $0x0  }
.Ltmp1:
0x5d: {  	s1 =	sadd.s32 $0x100, s0;
	[sflag:s25] =	ssyncadd.s32 $0xFFFFE000;
	(pc) =	sbr.rel @p0 .LBB2_4-.Ltmp1, $4  }
0x5e: {  	[tilespmem:s21], [sflag:$0x1] =	stream.indirect.gather [spmem:s3], $0x40, s1, s20, $0xb8;
	[tilespmem:$0x1EC00] =	vst v63  }
0x5f: {  	_ =	swait.ge [sflag:s26], $0x2000  }
0x60: {  	[sflag:s26] =	ssyncset.done $0x0  }
0x61: {  	s0 =	sadd.s32 $0x180, s0;
	[sflag:s26] =	ssyncadd.s32 $0xFFFFE000  }
0x62: {  	[tilespmem:s22], [sflag:$0x2] =	stream.indirect.gather [spmem:s3], $0x40, s0, s20, $0xb8;
	[tilespmem:$0x1EC00] =	vst v63  }
0x63: {  	_ =	swait.ge [sflag:s23], $0x2000  }
0x64: {  	[sflag:s23] =	ssyncset.done $0x0  }
0x65: {  	[sflag:s23] =	ssyncadd.s32 $0xFFFFE000  }
0x66: {  	[spmem:s2] =	stream.indirect.scatter.add.f32 [tilespmem:s21], [sflag:$0x3], $0x40, s28, s20, $0xb8;
	[tilespmem:$0x1EC00] =	vst v63  }
0x67: {  	_ =	swait.ge [sflag:s24], $0x2000  }
0x68: {  	[sflag:s24] =	ssyncset.done $0x0  }
0x69: {  	[sflag:s24] =	ssyncadd.s32 $0xFFFFE000  }
0x6a: {  	[spmem:s2] =	stream.indirect.scatter.add.f32 [tilespmem:s22], [sflag:$0x4], $0x40, s29, s20, $0xb8;
	[tilespmem:$0x1EC00] =	vst v63  }
0x6b: {  	_ =	swait.ge [sflag:s25], $0x2000  }
0x6c: {  	[sflag:s25] =	ssyncset.done $0x0  }
0x6d: {  	[sflag:s25] =	ssyncadd.s32 $0xFFFFE000  }
0x6e: {  	_ =	swait.ge [sflag:s26], $0x2000  }
0x6f: {  	s30 =	sadd.s32 $0x1, s30;
	[sflag:s26] =	ssyncset.done $0x0  }
0x70: {  	p0 =	sne.s32 s30, s14;
	[sflag:s26] =	ssyncadd.s32 $0xFFFFE000  }
.Ltmp2:
0x71: {  	s31 =	sshrl.u32 s7, $0x3;
	[bflag:$0x0] =	sbarrier.arrive $0xFFFF;
	(pc) =	sbr.rel @p0 .LBB2_1-.Ltmp2, $4  }
0x72: {  	[hbm:s13], [sflag:s18] =	dma.local [spmem:s31], $0x13C0  }
0x73: {  	_ =	swait.ge [sflag:s15], $0x13C0  }
0x74: {  	[sflag:s15] =	ssyncset.done $0x0  }
0x75: {  	[sflag:s15] =	ssyncadd.s32 $0xFFFFEC40  }
0x76: {  	_ =	sfence.sel $0x180000  }
0x77: {  	[bflag:$0x0] =	sbarrier.arrive $0xFFFF  }
0x78: {  	_ =	strace $0x9000004A  }
0x79: {  	s0 =	stileid.u32;
	[bflag:$0x2] =	sbarrier.arrive $0xFFFF  }
0x7a: {  	p0 =	sne.s32 s0, $0x0;
	s0 =	rddreg [dreg:$0x4]  }
0x7b: {  	s0 =	sadd.s32 @!p0 $0x100000, s0  }
0x7c: {  	[sflag:s0] =	ssyncadd.tile.s32 @!p0 $0x1;
	_ =	shalt  }
.Lfunc_end2:
_tile_overlayer_lowered:
.L_overlay_start_2:
0x7d: {  	(tag) =	ssettag $0x2  }
0x7e: {  	s0 =	rddreg [dreg:$0x0];
	s2 =	stileid.u32  }
0x7f: {  	s1 =	rddreg [dreg:$0x1];
	p0 =	sne.s32 s2, $0x0  }
0x80: {  	s3 =	rddreg [dreg:$0x2];
	[bflag:$0x3] =	sbarrier.arrive $0xFFFF;
	s2 =	simm.s32 @!p0 $0x1C05  }
0x81: {  	[timem:s3], [sflag:s2] =	dma.local @!p0 [hbm:s0], s1  }
0x82: {  	s0 =	simm.s32 @!p0 $0x5  }
0x83: {  	_ =	swait.ge @!p0 [sflag:s0], s1  }
0x84: {  	s1 =	ssub.s32 @!p0 $0x0, s1;
	[sflag:s0] =	ssyncset.done @!p0 $0x0  }
0x85: {  	[sflag:s0] =	ssyncadd.s32 @!p0 s1  }
0x86: {  	[bflag:$0x3] =	sbarrier.arrive $0xFFFF  }
0x87: {  	_ =	shalt  }

// kernel: kernel.14.cloned.1.call-start
scs
__scs_entry_jumppad:
0x0: {  	(pc) =	sbr.rel $0x88, $3  }
0x1: {  	(tag) =	ssettag $0x0;
	lr =	simm.s32 $0x1  }
0x2: {  	[smem:$0x3F9B] =	sst lr;
	_ =	strace $0xD0000000  }
0x3: {  	_ = 	snop  }
0x4: {  	_ = 	snop  }
0x5: {  	_ = 	snop  }
0x6: {  	_ = 	snop  }
0x7: {  	_ = 	snop  }
__scs_overlays_trampoline_lowered:
0x8: {  	[smem:$0x3FAA] =	sst s0  }
0x9: {  	[smem:$0x3FAB] =	sst s1  }
0xa: {  	[smem:$0x3FAC] =	sst s2  }
0xb: {  	[smem:$0x3FAD] =	sst s3  }
0xc: {  	[smem:$0x3FAE] =	sst s4  }
0xd: {  	[smem:$0x3FAF] =	sst s5  }
0xe: {  	[smem:$0x3FB0] =	sst s6  }
0xf: {  	[smem:$0x3FB1] =	sst s7  }
0x10: {  	[smem:$0x3FB2] =	sst s8  }
0x11: {  	[smem:$0x3FB3] =	sst s9;
	s0 =	simm.s32 @!p0 $0x0  }
0x12: {  	s1 =	sld [smem:$0x3F99];
	s0 =	simm.s32 @p0 $0x1  }
0x13: {  	[smem:$0x3FB4] =	sst s0;
	s0 =	simm.s32 @!p1 $0x0  }
0x14: {  	s2 =	sld [smem:$0x3F98];
	s0 =	simm.s32 @p1 $0x1  }
0x15: {  	[smem:$0x3FB5] =	sst s0;
	s0 =	simm.s32 @!p2 $0x0  }
0x16: {  	s3 =	sld [smem:$0x3FDB];
	s0 =	simm.s32 @p2 $0x1  }
0x17: {  	s4 =	simm.s32 $0x1BF5;
	[smem:$0x3FB7] =	sst s0  }
0x18: {  	s0 =	sld [smem:$0x3F9A];
	_ =	swait.ge [sflag:s4], $0x0  }
0x19: {  	s7 =	sld [smem:$0x3F9B]  }
0x1a: {  	s8 =	sadd.s32 $0xFFFFE003, lr  }
0x1b: {  	s9 =	sadd.s32 $0xFFFFFEF7, lr;
	s5 =	simm.s32 $0xFFFFFFFF;
	p2 =	slt.u32 s8, $0xFFFFF086  }
0x1c: {  	p1 =	slt.u32 s9, $0xF7A;
	s5 =	simm.s32 @!p2 $0x0  }
0x1d: {  	s5 =	simm.s32 @p1 $0x1;
	p0 =	seq.s32 s7, s2  }
0x1e: {  	s7 =	smul.u32 @!p0 $0xF7A, s2;
	p2 =	seq.s32 @!p0 s5, $0x0  }
0x1f: {  	s9 =	smul.u32 $0xF7A, s1;
	s8 =	simm.s32 @!p0 $0x1BF5;
	p2 =	por !p2, p0  }
0x20: {  	[sflag:s8] =	ssyncset.s32 @!p0 $0xFFFFF086;
	s6 =	sadd.s32 @!p0 s3, s7;
	s7 =	simm.s32 @!p0 $0x108  }
0x21: {  	s3 =	sadd.s32 s3, s9;
	s6 =	sadd.s32 @!p0 $0x88, s6;
	s7 =	simm.s32 @p2 $0x1082  }
0x22: {  	[simem:s7], [sflag:s8] =	dma.local @!p0 [hbm:s6], $0xF7A  }
0x23: {  	s9 =	sor.u32 $0xD0000000, s2;
	s6 =	simm.s32 $0x108;
	_ =	swait.ge @!p0 [sflag:s8], $0x0  }
0x24: {  	s3 =	sadd.s32 $0x88, s3;
	s6 =	simm.s32 @!p1 $0x1082;
	[sflag:s4] =	ssyncset.s32 $0xFFFFF086  }
0x25: {  	[simem:s6], [sflag:s4] =	dma.local [hbm:s3], $0xF7A  }
0x26: {  	[smem:$0x3F9B] =	sst s1;
	(tag) =	ssettag s2;
	_ =	strace s9  }
0x27: {  	s1 =	sld [smem:$0x3FAB]  }
0x28: {  	s2 =	sld [smem:$0x3FAC]  }
0x29: {  	s4 =	sld [smem:$0x3FAE]  }
0x2a: {  	p0 =	seq.s32 s5, $0x0;
	s5 =	sld [smem:$0x3FAF]  }
0x2b: {  	s6 =	sld [smem:$0x3FB0]  }
0x2c: {  	s7 =	sld [smem:$0x3FB1]  }
0x2d: {  	s3 =	simm.s32 $0x108;
	s8 =	sld [smem:$0x3FB2]  }
0x2e: {  	s3 =	simm.s32 @!p0 $0x1082;
	s9 =	sld [smem:$0x3FB3]  }
0x2f: {  	lr =	sadd.s32 s0, s3;
	s0 =	sld [smem:$0x3FAA]  }
0x30: {  	s3 =	sld [smem:$0x3FAD]  }
0x31: {  	[smem:$0x3FB6] =	sst s10  }
0x32: {  	s10 =	sld [smem:$0x3FB4];
	_ =	sdelay $0x3  }
0x33: {  	p0 =	seq.s32 s10, $0x1;
	s10 =	sld [smem:$0x3FB6];
	_ =	sdelay $0x3  }
0x34: {  	[smem:$0x3FB6] =	sst s10  }
0x35: {  	s10 =	sld [smem:$0x3FB5];
	_ =	sdelay $0x3  }
0x36: {  	p1 =	seq.s32 s10, $0x1;
	s10 =	sld [smem:$0x3FB6];
	_ =	sdelay $0x3  }
0x37: {  	[smem:$0x3FB6] =	sst s10  }
0x38: {  	s10 =	sld [smem:$0x3FB7]  }
0x39: {  	_ = 	snop;
	(pc) =	sbr.ind lr, $3  }
0x3a: {  	_ = 	snop  }
0x3b: {  	_ = 	snop  }
0x3c: {  	p2 =	seq.s32 s10, $0x1;
	s10 =	sld [smem:$0x3FB6]  }
0x3d: {  	_ =	shalt  }
0x3e: {  	_ =	shalt  }
0x3f: {  	_ =	shalt  }
0x40: {  	_ =	shalt  }
0x41: {  	_ =	shalt  }
0x42: {  	_ =	shalt  }
0x43: {  	_ =	shalt  }
0x44: {  	_ =	shalt  }
0x45: {  	_ =	shalt  }
0x46: {  	_ =	shalt  }
0x47: {  	_ =	shalt  }
0x48: {  	_ =	shalt  }
0x49: {  	_ =	shalt  }
0x4a: {  	_ =	shalt  }
0x4b: {  	_ =	shalt  }
0x4c: {  	_ =	shalt  }
0x4d: {  	_ =	shalt  }
0x4e: {  	_ =	shalt  }
0x4f: {  	_ =	shalt  }
0x50: {  	_ =	shalt  }
0x51: {  	_ =	shalt  }
0x52: {  	_ =	shalt  }
0x53: {  	_ =	shalt  }
0x54: {  	_ =	shalt  }
0x55: {  	_ =	shalt  }
0x56: {  	_ =	shalt  }
0x57: {  	_ =	shalt  }
0x58: {  	_ =	shalt  }
0x59: {  	_ =	shalt  }
0x5a: {  	_ =	shalt  }
0x5b: {  	_ =	shalt  }
0x5c: {  	_ =	shalt  }
0x5d: {  	_ =	shalt  }
0x5e: {  	_ =	shalt  }
0x5f: {  	_ =	shalt  }
0x60: {  	_ =	shalt  }
0x61: {  	_ =	shalt  }
0x62: {  	_ =	shalt  }
0x63: {  	_ =	shalt  }
0x64: {  	_ =	shalt  }
0x65: {  	_ =	shalt  }
0x66: {  	_ =	shalt  }
0x67: {  	_ =	shalt  }
0x68: {  	_ =	shalt  }
0x69: {  	_ =	shalt  }
0x6a: {  	_ =	shalt  }
0x6b: {  	_ =	shalt  }
0x6c: {  	_ =	shalt  }
0x6d: {  	_ =	shalt  }
0x6e: {  	_ =	shalt  }
0x6f: {  	_ =	shalt  }
0x70: {  	_ =	shalt  }
0x71: {  	_ =	shalt  }
0x72: {  	_ =	shalt  }
0x73: {  	_ =	shalt  }
0x74: {  	_ =	shalt  }
0x75: {  	_ =	shalt  }
0x76: {  	_ =	shalt  }
0x77: {  	_ =	shalt  }
0x78: {  	_ =	shalt  }
0x79: {  	_ =	shalt  }
0x7a: {  	_ =	shalt  }
0x7b: {  	_ =	shalt  }
0x7c: {  	_ =	shalt  }
0x7d: {  	_ =	shalt  }
0x7e: {  	_ =	shalt  }
0x7f: {  	_ =	shalt  }
0x80: {  	_ =	shalt  }
0x81: {  	_ =	shalt  }
0x82: {  	_ =	shalt  }
0x83: {  	_ =	shalt  }
0x84: {  	_ =	shalt  }
0x85: {  	_ =	shalt  }
0x86: {  	_ =	shalt  }
0x87: {  	_ =	shalt  }
.Lfunc_end0:
.L_simem_size_0:
called_computation.2_lowered:
.L_overlay_start_0:
0x88: {  	s2 =	sld [smem:$0x3FD9]  }
0x89: {  	s3 =	sld [smem:$0x3FFE];
	_ =	sdelay $0x1  }
0x8a: {  	s1 =	srdreg.scid  }
0x8b: {  	s0 =	sand.u32 $0x1, s1  }
0x8c: {  	s17 =	sshll.u32 s0, $0xA;
	s2 =	sadd.s32 s3, s2  }
0x8d: {  	s2 =	sadd.s32 s2, s17  }
0x8e: {  	[smem:$0x3FC2] =	sst s2  }
0x8f: {  	_ = 	snop  }
0x90: {  	s2 =	sld [smem:$0x3FD0];
	(tm) =	ssettm $0x1  }
0x91: {  	s18 =	sld [smem:$0x3FFB];
	_ =	sdelay $0x3  }
0x92: {  	_ =	strace s18  }
0x93: {  	s3 =	sld [smem:$0x3FFC];
	_ =	sdelay $0x3  }
0x94: {  	_ =	strace s3  }
0x95: {  	s3 =	sld [smem:$0x3FFD];
	_ =	sdelay $0x3  }
0x96: {  	_ =	strace s3  }
0x97: {  	_ =	strace $0x8FFFFFFF  }
0x98: {  	s19 =	sld [smem:$0x3FDB];
	_ =	sdelay $0x1  }
0x99: {  	s4 =	simm.s32 $_scs_section_size  }
0x9a: {  	s5 =	simm.s32 $_size__tile_overlayer_lowered;
	s6 =	simm.s32 $_tile_overlayer_lowered  }
0x9b: {  	s22 =	simm.s32 $0x1BFF;
	s21 =	sshll.u32 s6, $0x1;
	s3 =	sadd.s32 s4, s19  }
0x9c: {  	s7 =	simm.s32 $0x0;
	s20 =	sshll.u32 s5, $0x1;
	s5 =	sadd.s32 s21, s3  }
0x9d: {  	[timem:s7], [sflag:s22] =	dma.local [hbm:s5], s20  }
0x9e: {  	_ =	swait.ge [sflag:s22], s20  }
0x9f: {  	s4 =	ssub.s32 $0x0, s20;
	[sflag:s22] =	ssyncset.done $0x0  }
0xa0: {  	[sflag:s22] =	ssyncadd.s32 s4;
	_ =	sdelay $0x1  }
0xa1: {  	s23 =	simm.s32 $0x1B8B  }
0xa2: {  	_ =	swait.ge [sflag:s23], $0x1  }
0xa3: {  	[sflag:s23] =	ssyncset.done $0x0  }
0xa4: {  	s25 =	simm.s32 $0x1B8E;
	s24 =	sld [smem:$0x3FFE];
	[sflag:s23] =	ssyncadd.s32 $0xFFFFFFFF  }
0xa5: {  	s26 =	simm.s32 $execute0_lowered;
	[smem:$0x3FD2] =	sst s25  }
0xa6: {  	s5 =	sshll.u32 s26, $0x1;
	_ =	strace $0x8000004C;
	[dreg:$0x1] =	wrdreg $0xFFFFFFFF  }
0xa7: {  	s28 =	simm.s32 $_size_execute0_lowered;
	s3 =	sadd.s32 s3, s5;
	[dreg:$0x0] =	wrdreg $0x0  }
0xa8: {  	s5 =	sshll.u32 s28, $0x1;
	[dreg:$0x2] =	wrdreg s3  }
0xa9: {  	[dreg:$0x3] =	wrdreg s5  }
0xaa: {  	[dreg:$0x4] =	wrdreg $0xC0  }
0xab: {  	_ =	task [dreg:s7], $0x5FFFF  }
0xac: {  	[dreg:$0x1] =	wrdreg $0xFFFFFFFF  }
0xad: {  	[dreg:$0x0] =	wrdreg $0x60  }
0xae: {  	[dreg:$0x2] =	wrdreg s2  }
0xaf: {  	[dreg:$0x3] =	wrdreg s24  }
0xb0: {  	[dreg:$0x4] =	wrdreg $0x14E000  }
0xb1: {  	[dreg:$0x5] =	wrdreg $0xB0000  }
0xb2: {  	[dreg:$0x6] =	wrdreg $0x9  }
0xb3: {  	_ =	task.clear_ibuf [dreg:s7], $0x7FFFF;
	_ =	strace $0x9000004C  }
0xb4: {  	s29 =	simm.s32 $0x9;
	_ =	strace $0x8000004E  }
0xb5: {  	_ =	swait.ge [sflag:s29], $0x1  }
0xb6: {  	[sflag:s29] =	ssyncadd.s32 $0xFFFFFFFF  }
0xb7: {  	_ =	strace $0x9000004E  }
0xb8: {  	_ =	sfence  }
0xb9: {  	s30 =	sld [smem:$0x0];
	_ =	sdelay $0x2  }
0xba: {  	s31 =	sshll.u32 s1, $0xD;
	s1 =	sshrl.u32 s1, $0x2  }
0xbb: {  	s3 =	sand.u32 $0x4000, s31;
	s1 =	sadd.s32 s1, s30  }
0xbc: {  	s0 =	sor.u32 s3, s0;
	s1 =	sshll.u32 s1, $0x11  }
0xbd: {  	s0 =	sor.u32 s1, s0  }
0xbe: {  	s0 =	sadd.s32 $0x8F2B, s0  }
0xbf: {  	[sflag:s0] =	ssyncadd.remote.s32 $0x1  }
0xc0: {  	_ =	sfence.sel $0xFFFF  }
0xc1: {  	[dreg:$0x0] =	wrdreg $0xFFFFFFFF;
	(pc) =	sbr.abs _section_cstart, $3  }
0xc2: {  	[dreg:$0x1] =	wrdreg $0xFFFFFFFF  }
0xc3: {  	_ =	task.clear_ibuf [dreg:s7], $0x2FFFF;
	_ =	strace $0x9FFFFFFF  }
0xc4: {  	(tm) =	ssettm $0x7FFFFFFF  }
0xc5: {  	_ =	shalt  }
tec
execute0_lowered:
.L_overlay_start_1:
0x0: {  	(tag) =	ssettag $0x1  }
0x1: {  	s0 =	rddreg [dreg:$0x0]  }
0x2: {  	s5 =	rddreg [dreg:$0x1]  }
0x3: {  	s2 =	rddreg [dreg:$0x2]  }
0x4: {  	s4 =	srdreg.scid;
	s3 =	rddreg [dreg:$0x3]  }
0x5: {  	s1 =	stileid.u32;
	s16 =	simm.s32 $0x2800;
	s17 =	simm.s32 $0x9000  }
0x6: {  	s20 =	simm.s32 $0x80;
	s21 =	simm.s32 $0x5000;
	s22 =	simm.s32 $0x7000  }
0x7: {  	s23 =	simm.s32 $0x1;
	s24 =	simm.s32 $0x2;
	s28 =	simm.s32 $0x4F00  }
0x8: {  	s29 =	simm.s32 $0x4F80;
	s30 =	simm.s32 $0x0;
	s12 =	smul.u32 $0x9E00, s1  }
0x9: {  	s6 =	sand.u32 $0x1, s4;
	s4 =	simm.s32 $0x0;
	s9 =	smul.u32 $0x27800, s1  }
0xa: {  	s31 =	sshll.u32 s1, $0x6;
	s7 =	sshll.u32 s6, $0x4;
	s8 =	smul.u32 $0x9E000, s6  }
0xb: {  	[smem:$0x7FF] =	sst s4;
	s6 =	ssub.s32 $0x2, s6;
	s18 =	sor.u32 $0x1C05, s31  }
0xc: {  	s7 =	sor.u32 s1, s7;
	_ =	strace $0x8000004D;
	s25 =	sshrl.u32 s6, $0x1  }
0xd: {  	s26 =	sshrl.u32 s9, $0x2;
	s15 =	sshrl.u32 s12, $0x3;
	s19 =	sadd.s32 s12, s3  }
0xe: {  	s7 =	smul.u32 $0x500, s7;
	s8 =	sadd.s32 s12, s8;
	s14 =	ssub.s32 s6, s25  }
0xf: {  	s11 =	sadd.s32 s26, s2;
	s19 =	sshrl.u32 s19, $0x3;
	s25 =	simm.s32 $0x3  }
0x10: {  	s26 =	simm.s32 $0x4;
	s8 =	sshrl.u32 s8, $0x3;
	s9 =	sadd.s32 $0x4000, s11  }
0x11: {  	s10 =	sadd.s32 $0x6000, s11;
	s14 =	smax.u32 s14, $0x1;
	s7 =	sadd.s32 s7, s5  }
0x12: {  	s13 =	sadd.s32 s8, s5;
	s8 =	sadd.s32 $0x2000, s11;
	s11 =	sadd.s32 $0x8000, s11  }
0x13: {  	s5 =	sadd.s32 $0xBA00, s7;
	s6 =	sadd.s32 $0x1A00, s7;
	s7 =	sadd.s32 s12, s2  }
0x14: {  	v0 =	vimm.f32 $0.0e+00;
	s12 =	sadd.s32 s0, s15;
	s13 =	sadd.s32 $0x64A00, s13;
	s15 =	simm.s32 $0x5  }
.LBB2_1:
0x15: {  	[tilespmem:s4], [sflag:$0x5] =	stream.linear.gather [hbm4b:s5+s4], $0x2800, $0x38;
	[tilespmem:$0x1EC00] =	vst v63  }
0x16: {  	_ =	swait.ge [sflag:s15], $0x2800  }
0x17: {  	[sflag:s15] =	ssyncset.done $0x0  }
0x18: {  	[sflag:s15] =	ssyncadd.s32 $0xFFFFD800  }
0x19: {  	[tilespmem:s16], [sflag:$0x5] =	stream.linear.gather [hbm4b:s6+s4], $0x2800, $0x38;
	[tilespmem:$0x1EC00] =	vst v63  }
0x1a: {  	_ =	swait.ge [sflag:s15], $0x2800  }
0x1b: {  	[sflag:s15] =	ssyncset.done $0x0  }
0x1c: {  	s0 =	simm.s32 $0x100;
	s31 =	simm.s32 $0x0;
	[sflag:s15] =	ssyncadd.s32 $0xFFFFD800  }
.LBB2_2:
0x1d: {  	p0 =	sne.s32 s0, $0x7F00;
	[tilespmem:s31+$0x9030] =	vst v0;
	s1 =	smov.u32 s0;
	s0 =	sadd.s32 $0x100, s0  }
.Ltmp0:
0x1e: {  	[tilespmem:s31+$0x9020] =	vst v0;
	(pc) =	sbr.rel @p0 .LBB2_2-.Ltmp0, $3  }
0x1f: {  	[tilespmem:s31+$0x9000] =	vst v0  }
0x20: {  	[tilespmem:s31+$0x9010] =	vst v0;
	_ =	sdelay $0x1  }
0x21: {  	s31 =	sshra.s32 s1, $0x2  }
0x22: {  	[tilespmem:s31+$0x9030] =	vst v0  }
0x23: {  	[tilespmem:s31+$0x9020] =	vst v0  }
0x24: {  	[tilespmem:s31+$0x9000] =	vst v0  }
0x25: {  	[tilespmem:s31+$0x9010] =	vst v0  }
0x26: {  	[spmem:s7] =	stream.linear.scatter [tilespmem:s17], [sflag:$0x5], $0x2000, $0x38;
	[tilespmem:$0x1EC00] =	vst v63  }
0x27: {  	_ =	swait.ge [sflag:s15], $0x2000  }
0x28: {  	[sflag:s15] =	ssyncset.done $0x0  }
0x29: {  	[sflag:s15] =	ssyncadd.s32 $0xFFFFE000  }
0x2a: {  	[spmem:s8] =	stream.linear.scatter [tilespmem:s17], [sflag:$0x5], $0x2000, $0x38;
	[tilespmem:$0x1EC00] =	vst v63  }
0x2b: {  	_ =	swait.ge [sflag:s15], $0x2000  }
0x2c: {  	[sflag:s15] =	ssyncset.done $0x0  }
0x2d: {  	[sflag:s15] =	ssyncadd.s32 $0xFFFFE000  }
0x2e: {  	[spmem:s9] =	stream.linear.scatter [tilespmem:s17], [sflag:$0x5], $0x2000, $0x38;
	[tilespmem:$0x1EC00] =	vst v63  }
0x2f: {  	_ =	swait.ge [sflag:s15], $0x2000  }
0x30: {  	[sflag:s15] =	ssyncset.done $0x0  }
0x31: {  	[sflag:s15] =	ssyncadd.s32 $0xFFFFE000  }
0x32: {  	[spmem:s10] =	stream.linear.scatter [tilespmem:s17], [sflag:$0x5], $0x2000, $0x38;
	[tilespmem:$0x1EC00] =	vst v63  }
0x33: {  	_ =	swait.ge [sflag:s15], $0x2000  }
0x34: {  	[sflag:s15] =	ssyncset.done $0x0  }
0x35: {  	[sflag:s15] =	ssyncadd.s32 $0xFFFFE000  }
0x36: {  	[spmem:s11] =	stream.linear.scatter [tilespmem:s17], [sflag:$0x5], $0x1E00, $0x38;
	[tilespmem:$0x1EC00] =	vst v63  }
0x37: {  	_ =	swait.ge [sflag:s15], $0x1E00  }
0x38: {  	[sflag:s15] =	ssyncset.done $0x0  }
0x39: {  	[sflag:s15] =	ssyncadd.s32 $0xFFFFE200  }
0x3a: {  	[spmem:s19], [sflag:s18] =	dma.local [hbm:s12], $0x13C0  }
0x3b: {  	_ =	swait.ge [sflag:s15], $0x13C0  }
0x3c: {  	[sflag:s15] =	ssyncset.done $0x0  }
0x3d: {  	[sflag:s15] =	ssyncadd.s32 $0xFFFFEC40  }
0x3e: {  	s0 =	simm.s32 $0x0;
	[bflag:$0x0] =	sbarrier.arrive $0xFFFF  }
0x3f: {  	[tilespmem:s21], [sflag:$0x1] =	stream.indirect.gather [spmem:s3], $0x40, s0, s20, $0xb8;
	[tilespmem:$0x1EC00] =	vst v63  }
0x40: {  	_ = 	snop  }
0x41: {  	[tilespmem:s22], [sflag:$0x2] =	stream.indirect.gather [spmem:s3], $0x40, s20, s20, $0xb8;
	[tilespmem:$0x1EC00] =	vst v63  }
0x42: {  	_ =	swait.ge [sflag:s23], $0x2000  }
0x43: {  	[sflag:s23] =	ssyncset.done $0x0  }
0x44: {  	s1 =	simm.s32 $0x2800;
	[sflag:s23] =	ssyncadd.s32 $0xFFFFE000  }
0x45: {  	[spmem:s2] =	stream.indirect.scatter.add.f32 [tilespmem:s21], [sflag:$0x3], $0x40, s1, s20, $0xb8;
	[tilespmem:$0x1EC00] =	vst v63  }
0x46: {  	_ =	swait.ge [sflag:s24], $0x2000  }
0x47: {  	[sflag:s24] =	ssyncset.done $0x0  }
0x48: {  	s1 =	simm.s32 $0x2880;
	[sflag:s24] =	ssyncadd.s32 $0xFFFFE000  }
0x49: {  	[spmem:s2] =	stream.indirect.scatter.add.f32 [tilespmem:s22], [sflag:$0x4], $0x40, s1, s20, $0xb8;
	[tilespmem:$0x1EC00] =	vst v63  }
0x4a: {  	_ =	swait.ge [sflag:s25], $0x2000  }
0x4b: {  	[sflag:s25] =	ssyncset.done $0x0  }
0x4c: {  	s1 =	simm.s32 $0x100;
	[sflag:s25] =	ssyncadd.s32 $0xFFFFE000  }
0x4d: {  	[tilespmem:s21], [sflag:$0x1] =	stream.indirect.gather [spmem:s3], $0x40, s1, s20, $0xb8;
	[tilespmem:$0x1EC00] =	vst v63  }
0x4e: {  	_ =	swait.ge [sflag:s26], $0x2000  }
0x4f: {  	[sflag:s26] =	ssyncset.done $0x0  }
0x50: {  	s31 =	simm.s32 $0x400;
	s0 =	simm.s32 $0x180;
	[sflag:s26] =	ssyncadd.s32 $0xFFFFE000  }
.LBB2_4:
0x51: {  	[tilespmem:s22], [sflag:$0x2] =	stream.indirect.gather [spmem:s3], $0x40, s0, s20, $0xb8;
	[tilespmem:$0x1EC00] =	vst v63  }
0x52: {  	s0 =	smov.u32 s31  }
0x53: {  	p0 =	sne.s32 s31, $0x9800;
	s31 =	sadd.s32 $0x400, s31;
	_ =	swait.ge [sflag:s23], $0x2000  }
0x54: {  	s0 =	sshra.s32 s0, $0x2;
	[sflag:s23] =	ssyncset.done $0x0  }
0x55: {  	s1 =	sadd.s32 $0x2800, s0;
	[sflag:s23] =	ssyncadd.s32 $0xFFFFE000  }
0x56: {  	[spmem:s2] =	stream.indirect.scatter.add.f32 [tilespmem:s21], [sflag:$0x3], $0x40, s1, s20, $0xb8;
	[tilespmem:$0x1EC00] =	vst v63  }
0x57: {  	_ =	swait.ge [sflag:s24], $0x2000  }
0x58: {  	[sflag:s24] =	ssyncset.done $0x0  }
0x59: {  	s1 =	sadd.s32 $0x2880, s0;
	[sflag:s24] =	ssyncadd.s32 $0xFFFFE000  }
0x5a: {  	[spmem:s2] =	stream.indirect.scatter.add.f32 [tilespmem:s22], [sflag:$0x4], $0x40, s1, s20, $0xb8;
	[tilespmem:$0x1EC00] =	vst v63  }
0x5b: {  	_ =	swait.ge [sflag:s25], $0x2000  }
0x5c: {  	[sflag:s25] =	ssyncset.done $0x0  }
.Ltmp1:
0x5d: {  	s1 =	sadd.s32 $0x100, s0;
	[sflag:s25] =	ssyncadd.s32 $0xFFFFE000;
	(pc) =	sbr.rel @p0 .LBB2_4-.Ltmp1, $4  }
0x5e: {  	[tilespmem:s21], [sflag:$0x1] =	stream.indirect.gather [spmem:s3], $0x40, s1, s20, $0xb8;
	[tilespmem:$0x1EC00] =	vst v63  }
0x5f: {  	_ =	swait.ge [sflag:s26], $0x2000  }
0x60: {  	[sflag:s26] =	ssyncset.done $0x0  }
0x61: {  	s0 =	sadd.s32 $0x180, s0;
	[sflag:s26] =	ssyncadd.s32 $0xFFFFE000  }
0x62: {  	[tilespmem:s22], [sflag:$0x2] =	stream.indirect.gather [spmem:s3], $0x40, s0, s20, $0xb8;
	[tilespmem:$0x1EC00] =	vst v63  }
0x63: {  	_ =	swait.ge [sflag:s23], $0x2000  }
0x64: {  	[sflag:s23] =	ssyncset.done $0x0  }
0x65: {  	[sflag:s23] =	ssyncadd.s32 $0xFFFFE000  }
0x66: {  	[spmem:s2] =	stream.indirect.scatter.add.f32 [tilespmem:s21], [sflag:$0x3], $0x40, s28, s20, $0xb8;
	[tilespmem:$0x1EC00] =	vst v63  }
0x67: {  	_ =	swait.ge [sflag:s24], $0x2000  }
0x68: {  	[sflag:s24] =	ssyncset.done $0x0  }
0x69: {  	[sflag:s24] =	ssyncadd.s32 $0xFFFFE000  }
0x6a: {  	[spmem:s2] =	stream.indirect.scatter.add.f32 [tilespmem:s22], [sflag:$0x4], $0x40, s29, s20, $0xb8;
	[tilespmem:$0x1EC00] =	vst v63  }
0x6b: {  	_ =	swait.ge [sflag:s25], $0x2000  }
0x6c: {  	[sflag:s25] =	ssyncset.done $0x0  }
0x6d: {  	[sflag:s25] =	ssyncadd.s32 $0xFFFFE000  }
0x6e: {  	_ =	swait.ge [sflag:s26], $0x2000  }
0x6f: {  	s30 =	sadd.s32 $0x1, s30;
	[sflag:s26] =	ssyncset.done $0x0  }
0x70: {  	p0 =	sne.s32 s30, s14;
	[sflag:s26] =	ssyncadd.s32 $0xFFFFE000  }
.Ltmp2:
0x71: {  	s31 =	sshrl.u32 s7, $0x3;
	[bflag:$0x0] =	sbarrier.arrive $0xFFFF;
	(pc) =	sbr.rel @p0 .LBB2_1-.Ltmp2, $4  }
0x72: {  	[hbm:s13], [sflag:s18] =	dma.local [spmem:s31], $0x13C0  }
0x73: {  	_ =	swait.ge [sflag:s15], $0x13C0  }
0x74: {  	[sflag:s15] =	ssyncset.done $0x0  }
0x75: {  	[sflag:s15] =	ssyncadd.s32 $0xFFFFEC40  }
0x76: {  	_ =	sfence.sel $0x180000  }
0x77: {  	[bflag:$0x0] =	sbarrier.arrive $0xFFFF  }
0x78: {  	_ =	strace $0x9000004D  }
0x79: {  	s0 =	stileid.u32;
	[bflag:$0x2] =	sbarrier.arrive $0xFFFF  }
0x7a: {  	p0 =	sne.s32 s0, $0x0;
	s0 =	rddreg [dreg:$0x4]  }
0x7b: {  	s0 =	sadd.s32 @!p0 $0x100000, s0  }
0x7c: {  	[sflag:s0] =	ssyncadd.tile.s32 @!p0 $0x1;
	_ =	shalt  }
.Lfunc_end2:
_tile_overlayer_lowered:
.L_overlay_start_2:
0x7d: {  	(tag) =	ssettag $0x2  }
0x7e: {  	s0 =	rddreg [dreg:$0x0];
	s2 =	stileid.u32  }
0x7f: {  	s1 =	rddreg [dreg:$0x1];
	p0 =	sne.s32 s2, $0x0  }
0x80: {  	s3 =	rddreg [dreg:$0x2];
	[bflag:$0x3] =	sbarrier.arrive $0xFFFF;
	s2 =	simm.s32 @!p0 $0x1C05  }
0x81: {  	[timem:s3], [sflag:s2] =	dma.local @!p0 [hbm:s0], s1  }
0x82: {  	s0 =	simm.s32 @!p0 $0x5  }
0x83: {  	_ =	swait.ge @!p0 [sflag:s0], s1  }
0x84: {  	s1 =	ssub.s32 @!p0 $0x0, s1;
	[sflag:s0] =	ssyncset.done @!p0 $0x0  }
0x85: {  	[sflag:s0] =	ssyncadd.s32 @!p0 s1  }
0x86: {  	[bflag:$0x3] =	sbarrier.arrive $0xFFFF  }
0x87: {  	_ =	shalt  }

// kernel: kernel.8.cloned.1.call-start
scs
__scs_entry_jumppad:
0x0: {  	(pc) =	sbr.rel $0x88, $3  }
0x1: {  	(tag) =	ssettag $0x0;
	lr =	simm.s32 $0x1  }
0x2: {  	[smem:$0x3F9B] =	sst lr;
	_ =	strace $0xD0000000  }
0x3: {  	_ = 	snop  }
0x4: {  	_ = 	snop  }
0x5: {  	_ = 	snop  }
0x6: {  	_ = 	snop  }
0x7: {  	_ = 	snop  }
__scs_overlays_trampoline_lowered:
0x8: {  	[smem:$0x3FAA] =	sst s0  }
0x9: {  	[smem:$0x3FAB] =	sst s1  }
0xa: {  	[smem:$0x3FAC] =	sst s2  }
0xb: {  	[smem:$0x3FAD] =	sst s3  }
0xc: {  	[smem:$0x3FAE] =	sst s4  }
0xd: {  	[smem:$0x3FAF] =	sst s5  }
0xe: {  	[smem:$0x3FB0] =	sst s6  }
0xf: {  	[smem:$0x3FB1] =	sst s7  }
0x10: {  	[smem:$0x3FB2] =	sst s8  }
0x11: {  	[smem:$0x3FB3] =	sst s9;
	s0 =	simm.s32 @!p0 $0x0  }
0x12: {  	s1 =	sld [smem:$0x3F99];
	s0 =	simm.s32 @p0 $0x1  }
0x13: {  	[smem:$0x3FB4] =	sst s0;
	s0 =	simm.s32 @!p1 $0x0  }
0x14: {  	s2 =	sld [smem:$0x3F98];
	s0 =	simm.s32 @p1 $0x1  }
0x15: {  	[smem:$0x3FB5] =	sst s0;
	s0 =	simm.s32 @!p2 $0x0  }
0x16: {  	s3 =	sld [smem:$0x3FDB];
	s0 =	simm.s32 @p2 $0x1  }
0x17: {  	s4 =	simm.s32 $0x1BF5;
	[smem:$0x3FB7] =	sst s0  }
0x18: {  	s0 =	sld [smem:$0x3F9A];
	_ =	swait.ge [sflag:s4], $0x0  }
0x19: {  	s7 =	sld [smem:$0x3F9B]  }
0x1a: {  	s8 =	sadd.s32 $0xFFFFE003, lr  }
0x1b: {  	s9 =	sadd.s32 $0xFFFFFEF7, lr;
	s5 =	simm.s32 $0xFFFFFFFF;
	p2 =	slt.u32 s8, $0xFFFFF086  }
0x1c: {  	p1 =	slt.u32 s9, $0xF7A;
	s5 =	simm.s32 @!p2 $0x0  }
0x1d: {  	s5 =	simm.s32 @p1 $0x1;
	p0 =	seq.s32 s7, s2  }
0x1e: {  	s7 =	smul.u32 @!p0 $0xF7A, s2;
	p2 =	seq.s32 @!p0 s5, $0x0  }
0x1f: {  	s9 =	smul.u32 $0xF7A, s1;
	s8 =	simm.s32 @!p0 $0x1BF5;
	p2 =	por !p2, p0  }
0x20: {  	[sflag:s8] =	ssyncset.s32 @!p0 $0xFFFFF086;
	s6 =	sadd.s32 @!p0 s3, s7;
	s7 =	simm.s32 @!p0 $0x108  }
0x21: {  	s3 =	sadd.s32 s3, s9;
	s6 =	sadd.s32 @!p0 $0x88, s6;
	s7 =	simm.s32 @p2 $0x1082  }
0x22: {  	[simem:s7], [sflag:s8] =	dma.local @!p0 [hbm:s6], $0xF7A  }
0x23: {  	s9 =	sor.u32 $0xD0000000, s2;
	s6 =	simm.s32 $0x108;
	_ =	swait.ge @!p0 [sflag:s8], $0x0  }
0x24: {  	s3 =	sadd.s32 $0x88, s3;
	s6 =	simm.s32 @!p1 $0x1082;
	[sflag:s4] =	ssyncset.s32 $0xFFFFF086  }
0x25: {  	[simem:s6], [sflag:s4] =	dma.local [hbm:s3], $0xF7A  }
0x26: {  	[smem:$0x3F9B] =	sst s1;
	(tag) =	ssettag s2;
	_ =	strace s9  }
0x27: {  	s1 =	sld [smem:$0x3FAB]  }
0x28: {  	s2 =	sld [smem:$0x3FAC]  }
0x29: {  	s4 =	sld [smem:$0x3FAE]  }
0x2a: {  	p0 =	seq.s32 s5, $0x0;
	s5 =	sld [smem:$0x3FAF]  }
0x2b: {  	s6 =	sld [smem:$0x3FB0]  }
0x2c: {  	s7 =	sld [smem:$0x3FB1]  }
0x2d: {  	s3 =	simm.s32 $0x108;
	s8 =	sld [smem:$0x3FB2]  }
0x2e: {  	s3 =	simm.s32 @!p0 $0x1082;
	s9 =	sld [smem:$0x3FB3]  }
0x2f: {  	lr =	sadd.s32 s0, s3;
	s0 =	sld [smem:$0x3FAA]  }
0x30: {  	s3 =	sld [smem:$0x3FAD]  }
0x31: {  	[smem:$0x3FB6] =	sst s10  }
0x32: {  	s10 =	sld [smem:$0x3FB4];
	_ =	sdelay $0x3  }
0x33: {  	p0 =	seq.s32 s10, $0x1;
	s10 =	sld [smem:$0x3FB6];
	_ =	sdelay $0x3  }
0x34: {  	[smem:$0x3FB6] =	sst s10  }
0x35: {  	s10 =	sld [smem:$0x3FB5];
	_ =	sdelay $0x3  }
0x36: {  	p1 =	seq.s32 s10, $0x1;
	s10 =	sld [smem:$0x3FB6];
	_ =	sdelay $0x3  }
0x37: {  	[smem:$0x3FB6] =	sst s10  }
0x38: {  	s10 =	sld [smem:$0x3FB7]  }
0x39: {  	_ = 	snop;
	(pc) =	sbr.ind lr, $3  }
0x3a: {  	_ = 	snop  }
0x3b: {  	_ = 	snop  }
0x3c: {  	p2 =	seq.s32 s10, $0x1;
	s10 =	sld [smem:$0x3FB6]  }
0x3d: {  	_ =	shalt  }
0x3e: {  	_ =	shalt  }
0x3f: {  	_ =	shalt  }
0x40: {  	_ =	shalt  }
0x41: {  	_ =	shalt  }
0x42: {  	_ =	shalt  }
0x43: {  	_ =	shalt  }
0x44: {  	_ =	shalt  }
0x45: {  	_ =	shalt  }
0x46: {  	_ =	shalt  }
0x47: {  	_ =	shalt  }
0x48: {  	_ =	shalt  }
0x49: {  	_ =	shalt  }
0x4a: {  	_ =	shalt  }
0x4b: {  	_ =	shalt  }
0x4c: {  	_ =	shalt  }
0x4d: {  	_ =	shalt  }
0x4e: {  	_ =	shalt  }
0x4f: {  	_ =	shalt  }
0x50: {  	_ =	shalt  }
0x51: {  	_ =	shalt  }
0x52: {  	_ =	shalt  }
0x53: {  	_ =	shalt  }
0x54: {  	_ =	shalt  }
0x55: {  	_ =	shalt  }
0x56: {  	_ =	shalt  }
0x57: {  	_ =	shalt  }
0x58: {  	_ =	shalt  }
0x59: {  	_ =	shalt  }
0x5a: {  	_ =	shalt  }
0x5b: {  	_ =	shalt  }
0x5c: {  	_ =	shalt  }
0x5d: {  	_ =	shalt  }
0x5e: {  	_ =	shalt  }
0x5f: {  	_ =	shalt  }
0x60: {  	_ =	shalt  }
0x61: {  	_ =	shalt  }
0x62: {  	_ =	shalt  }
0x63: {  	_ =	shalt  }
0x64: {  	_ =	shalt  }
0x65: {  	_ =	shalt  }
0x66: {  	_ =	shalt  }
0x67: {  	_ =	shalt  }
0x68: {  	_ =	shalt  }
0x69: {  	_ =	shalt  }
0x6a: {  	_ =	shalt  }
0x6b: {  	_ =	shalt  }
0x6c: {  	_ =	shalt  }
0x6d: {  	_ =	shalt  }
0x6e: {  	_ =	shalt  }
0x6f: {  	_ =	shalt  }
0x70: {  	_ =	shalt  }
0x71: {  	_ =	shalt  }
0x72: {  	_ =	shalt  }
0x73: {  	_ =	shalt  }
0x74: {  	_ =	shalt  }
0x75: {  	_ =	shalt  }
0x76: {  	_ =	shalt  }
0x77: {  	_ =	shalt  }
0x78: {  	_ =	shalt  }
0x79: {  	_ =	shalt  }
0x7a: {  	_ =	shalt  }
0x7b: {  	_ =	shalt  }
0x7c: {  	_ =	shalt  }
0x7d: {  	_ =	shalt  }
0x7e: {  	_ =	shalt  }
0x7f: {  	_ =	shalt  }
0x80: {  	_ =	shalt  }
0x81: {  	_ =	shalt  }
0x82: {  	_ =	shalt  }
0x83: {  	_ =	shalt  }
0x84: {  	_ =	shalt  }
0x85: {  	_ =	shalt  }
0x86: {  	_ =	shalt  }
0x87: {  	_ =	shalt  }
.Lfunc_end0:
.L_simem_size_0:
called_computation_lowered:
.L_overlay_start_0:
0x88: {  	s2 =	sld [smem:$0x3FD9]  }
0x89: {  	s3 =	sld [smem:$0x3FFE];
	_ =	sdelay $0x1  }
0x8a: {  	s1 =	srdreg.scid  }
0x8b: {  	s0 =	sand.u32 $0x1, s1  }
0x8c: {  	s17 =	sshll.u32 s0, $0xA;
	s2 =	sadd.s32 s3, s2  }
0x8d: {  	s2 =	sadd.s32 s2, s17  }
0x8e: {  	[smem:$0x3FC2] =	sst s2  }
0x8f: {  	_ = 	snop  }
0x90: {  	s2 =	sld [smem:$0x3FD0];
	(tm) =	ssettm $0x1  }
0x91: {  	s18 =	sld [smem:$0x3FFB];
	_ =	sdelay $0x3  }
0x92: {  	_ =	strace s18  }
0x93: {  	s3 =	sld [smem:$0x3FFC];
	_ =	sdelay $0x3  }
0x94: {  	_ =	strace s3  }
0x95: {  	s3 =	sld [smem:$0x3FFD];
	_ =	sdelay $0x3  }
0x96: {  	_ =	strace s3  }
0x97: {  	_ =	strace $0x8FFFFFFF  }
0x98: {  	s19 =	sld [smem:$0x3FDB];
	_ =	sdelay $0x1  }
0x99: {  	s4 =	simm.s32 $_scs_section_size  }
0x9a: {  	s5 =	simm.s32 $_size__tile_overlayer_lowered;
	s6 =	simm.s32 $_tile_overlayer_lowered  }
0x9b: {  	s22 =	simm.s32 $0x1BFF;
	s21 =	sshll.u32 s6, $0x1;
	s3 =	sadd.s32 s4, s19  }
0x9c: {  	s7 =	simm.s32 $0x0;
	s20 =	sshll.u32 s5, $0x1;
	s5 =	sadd.s32 s21, s3  }
0x9d: {  	[timem:s7], [sflag:s22] =	dma.local [hbm:s5], s20  }
0x9e: {  	_ =	swait.ge [sflag:s22], s20  }
0x9f: {  	s4 =	ssub.s32 $0x0, s20;
	[sflag:s22] =	ssyncset.done $0x0  }
0xa0: {  	[sflag:s22] =	ssyncadd.s32 s4;
	_ =	sdelay $0x1  }
0xa1: {  	s23 =	simm.s32 $0x1B8B  }
0xa2: {  	_ =	swait.ge [sflag:s23], $0x1  }
0xa3: {  	[sflag:s23] =	ssyncset.done $0x0  }
0xa4: {  	s25 =	simm.s32 $0x1B8E;
	s24 =	sld [smem:$0x3FFE];
	[sflag:s23] =	ssyncadd.s32 $0xFFFFFFFF  }
0xa5: {  	s26 =	simm.s32 $execute0_lowered;
	[smem:$0x3FD2] =	sst s25  }
0xa6: {  	s5 =	sshll.u32 s26, $0x1;
	_ =	strace $0x80000046;
	[dreg:$0x1] =	wrdreg $0xFFFFFFFF  }
0xa7: {  	s28 =	simm.s32 $_size_execute0_lowered;
	s3 =	sadd.s32 s3, s5;
	[dreg:$0x0] =	wrdreg $0x0  }
0xa8: {  	s5 =	sshll.u32 s28, $0x1;
	[dreg:$0x2] =	wrdreg s3  }
0xa9: {  	[dreg:$0x3] =	wrdreg s5  }
0xaa: {  	[dreg:$0x4] =	wrdreg $0xC0  }
0xab: {  	_ =	task [dreg:s7], $0x5FFFF  }
0xac: {  	[dreg:$0x1] =	wrdreg $0xFFFFFFFF  }
0xad: {  	[dreg:$0x0] =	wrdreg $0x60  }
0xae: {  	[dreg:$0x2] =	wrdreg s24  }
0xaf: {  	[dreg:$0x3] =	wrdreg s2  }
0xb0: {  	[dreg:$0x4] =	wrdreg $0x38000  }
0xb1: {  	[dreg:$0x5] =	wrdreg $0x9  }
0xb2: {  	_ =	task.clear_ibuf [dreg:s7], $0x6FFFF;
	_ =	strace $0x90000046  }
0xb3: {  	s29 =	simm.s32 $0x9;
	_ =	strace $0x80000048  }
0xb4: {  	_ =	swait.ge [sflag:s29], $0x1  }
0xb5: {  	[sflag:s29] =	ssyncadd.s32 $0xFFFFFFFF  }
0xb6: {  	_ =	strace $0x90000048  }
0xb7: {  	_ =	sfence  }
0xb8: {  	s30 =	sld [smem:$0x0];
	_ =	sdelay $0x2  }
0xb9: {  	s31 =	sshll.u32 s1, $0xD;
	s1 =	sshrl.u32 s1, $0x2  }
0xba: {  	s3 =	sand.u32 $0x4000, s31;
	s1 =	sadd.s32 s1, s30  }
0xbb: {  	s0 =	sor.u32 s3, s0;
	s1 =	sshll.u32 s1, $0x11  }
0xbc: {  	s0 =	sor.u32 s1, s0  }
0xbd: {  	s0 =	sadd.s32 $0x8F2B, s0  }
0xbe: {  	[sflag:s0] =	ssyncadd.remote.s32 $0x1  }
0xbf: {  	_ =	sfence.sel $0xFFFF  }
0xc0: {  	[dreg:$0x0] =	wrdreg $0xFFFFFFFF;
	(pc) =	sbr.abs _section_cstart, $3  }
0xc1: {  	[dreg:$0x1] =	wrdreg $0xFFFFFFFF  }
0xc2: {  	_ =	task.clear_ibuf [dreg:s7], $0x2FFFF;
	_ =	strace $0x9FFFFFFF  }
0xc3: {  	(tm) =	ssettm $0x7FFFFFFF  }
tec
execute0_lowered:
.L_overlay_start_1:
0x0: {  	(tag) =	ssettag $0x1  }
0x1: {  	s4 =	rddreg [dreg:$0x0]  }
0x2: {  	s0 =	srdreg.scid;
	s10 =	rddreg [dreg:$0x1]  }
0x3: {  	s2 =	rddreg [dreg:$0x2];
	s5 =	sand.u32 $0x1, s0;
	s0 =	stileid.u32  }
0x4: {  	s3 =	simm.s32 $0x0;
	s14 =	simm.s32 $0x80;
	s7 =	smul.u32 $0x9E00, s0  }
0x5: {  	s15 =	simm.s32 $0x2800;
	[smem:$0x7FF] =	sst s3;
	s8 =	smul.u32 $0x2780, s0  }
0x6: {  	s1 =	sshll.u32 s5, $0x4;
	s28 =	ssub.s32 $0x2, s5;
	s12 =	smul.u32 $0x27800, s5  }
0x7: {  	s16 =	sshll.u32 s0, $0x6;
	s6 =	sor.u32 s0, s1;
	s1 =	rddreg [dreg:$0x3]  }
0x8: {  	_ =	strace $0x80000047;
	s30 =	sshrl.u32 s28, $0x1;
	s16 =	sor.u32 $0x1C01, s16  }
0x9: {  	s6 =	smul.u32 $0x500, s6;
	s29 =	sshrl.u32 s7, $0x2;
	s12 =	sadd.s32 s8, s12  }
0xa: {  	s13 =	ssub.s32 s28, s30;
	s11 =	sadd.s32 s29, s2;
	s31 =	sshrl.u32 s12, $0x3  }
0xb: {  	s12 =	simm.s32 $0x3000;
	s9 =	sadd.s32 s6, s4;
	s4 =	sadd.s32 s8, s2  }
0xc: {  	s5 =	sadd.s32 $0x800, s11;
	s6 =	sadd.s32 $0x1000, s11;
	s7 =	sadd.s32 $0x1800, s11  }
0xd: {  	s8 =	sadd.s32 $0x2000, s11;
	s10 =	sadd.s32 s10, s31;
	s11 =	smax.u32 s13, $0x1  }
0xe: {  	v0 =	vimm.f32 $1.000000000e+00;
	v1 =	vimm.f32 $0.0e+00;
	s13 =	simm.s32 $0x1;
	s9 =	sadd.s32 $0x1A00, s9;
	s17 =	sshrl.u32 s4, $0x3  }
.LBB2_1:
0xf: {  	s18 =	simm.s32 $0x40;
	s19 =	simm.s32 $0x0  }
.LBB2_2:
0x10: {  	p0 =	sne.s32 s18, $0x1FC0;
	[tilespmem:s19+$0x2800] =	vst v0;
	s20 =	smov.u32 s18;
	s18 =	sadd.s32 $0x40, s18  }
.Ltmp0:
0x11: {  	[tilespmem:s19+$0x3000] =	vst v1;
	(pc) =	sbr.rel @p0 .LBB2_2-.Ltmp0, $2  }
0x12: {  	_ =	sdelay $0x2  }
0x13: {  	s19 =	sshra.s32 s20, $0x2  }
0x14: {  	[tilespmem:s19+$0x2800] =	vst v0  }
0x15: {  	[tilespmem:s19+$0x3000] =	vst v1  }
0x16: {  	[spmem:s4] =	stream.linear.scatter [tilespmem:s12], [sflag:$0x1], $0x800, $0x38;
	[tilespmem:$0x5F80] =	vst v63  }
0x17: {  	_ =	swait.ge [sflag:s13], $0x800  }
0x18: {  	[sflag:s13] =	ssyncset.done $0x0  }
0x19: {  	[sflag:s13] =	ssyncadd.s32 $0xFFFFF800  }
0x1a: {  	[spmem:s5] =	stream.linear.scatter [tilespmem:s12], [sflag:$0x1], $0x800, $0x38;
	[tilespmem:$0x5F80] =	vst v63  }
0x1b: {  	_ =	swait.ge [sflag:s13], $0x800  }
0x1c: {  	[sflag:s13] =	ssyncset.done $0x0  }
0x1d: {  	[sflag:s13] =	ssyncadd.s32 $0xFFFFF800  }
0x1e: {  	[spmem:s6] =	stream.linear.scatter [tilespmem:s12], [sflag:$0x1], $0x800, $0x38;
	[tilespmem:$0x5F80] =	vst v63  }
0x1f: {  	_ =	swait.ge [sflag:s13], $0x800  }
0x20: {  	[sflag:s13] =	ssyncset.done $0x0  }
0x21: {  	[sflag:s13] =	ssyncadd.s32 $0xFFFFF800  }
0x22: {  	[spmem:s7] =	stream.linear.scatter [tilespmem:s12], [sflag:$0x1], $0x800, $0x38;
	[tilespmem:$0x5F80] =	vst v63  }
0x23: {  	_ =	swait.ge [sflag:s13], $0x800  }
0x24: {  	[sflag:s13] =	ssyncset.done $0x0  }
0x25: {  	[sflag:s13] =	ssyncadd.s32 $0xFFFFF800  }
0x26: {  	[spmem:s8] =	stream.linear.scatter [tilespmem:s12], [sflag:$0x1], $0x780, $0x38;
	[tilespmem:$0x5F80] =	vst v63  }
0x27: {  	_ =	swait.ge [sflag:s13], $0x780  }
0x28: {  	[sflag:s13] =	ssyncset.done $0x0  }
0x29: {  	s18 =	simm.s32 $0x0;
	[sflag:s13] =	ssyncadd.s32 $0xFFFFF880  }
0x2a: {  	[tilespmem:s18], [sflag:$0x1] =	stream.linear.gather [hbm4b:s9+s18], $0x2800, $0x38;
	[tilespmem:$0x5F80] =	vst v63  }
0x2b: {  	_ =	swait.ge [sflag:s13], $0x2800  }
0x2c: {  	[sflag:s13] =	ssyncset.done $0x0  }
0x2d: {  	[sflag:s13] =	ssyncadd.s32 $0xFFFFD800  }
0x2e: {  	s31 =	simm.s32 $0x0;
	[bflag:$0x0] =	sbarrier.arrive $0xFFFF  }
0x2f: {  	[spmem:s2] =	stream.indirect.scatter.add.f32 [tilespmem:s15], [sflag:$0x1], $0x10, s31, s14, $0xb8;
	[tilespmem:$0x5F80] =	vst v63  }
0x30: {  	_ =	swait.ge [sflag:s13], $0x800  }
0x31: {  	s18 =	simm.s32 $0x200;
	[sflag:s13] =	ssyncset.done $0x0  }
.LBB2_4:
0x32: {  	s19 =	sshra.s32 s18, $0x2;
	[sflag:s13] =	ssyncadd.s32 $0xFFFFF800;
	p0 =	sne.s32 s18, $0x9E00  }
0x33: {  	[spmem:s2] =	stream.indirect.scatter.add.f32 [tilespmem:s15], [sflag:$0x1], $0x10, s19, s14, $0xb8;
	[tilespmem:$0x5F80] =	vst v63  }
.Ltmp1:
0x34: {  	_ = 	snop;
	(pc) =	sbr.rel @p0 .LBB2_4-.Ltmp1, $4  }
0x35: {  	_ = 	snop  }
0x36: {  	s18 =	sadd.s32 $0x200, s18  }
0x37: {  	_ =	swait.ge [sflag:s13], $0x800  }
0x38: {  	[sflag:s13] =	ssyncset.done $0x0  }
0x39: {  	s3 =	sadd.s32 $0x1, s3  }
0x3a: {  	[sflag:s13] =	ssyncadd.s32 $0xFFFFF800;
	p0 =	sne.s32 s3, s11  }
.Ltmp2:
0x3b: {  	[bflag:$0x0] =	sbarrier.arrive $0xFFFF;
	(pc) =	sbr.rel @p0 .LBB2_1-.Ltmp2, $4  }
0x3c: {  	[hbm:s10], [sflag:s16] =	dma.local [spmem:s17], $0x4F0  }
0x3d: {  	_ =	swait.ge [sflag:s13], $0x4F0  }
0x3e: {  	[sflag:s13] =	ssyncset.done $0x0  }
0x3f: {  	[sflag:s13] =	ssyncadd.s32 $0xFFFFFB10  }
0x40: {  	_ =	sfence.sel $0x180000  }
0x41: {  	[bflag:$0x0] =	sbarrier.arrive $0xFFFF  }
0x42: {  	p0 =	sne.s32 s0, $0x0;
	_ =	strace $0x90000047  }
0x43: {  	s0 =	sadd.s32 @!p0 $0x100000, s1;
	[bflag:$0x2] =	sbarrier.arrive $0xFFFF  }
0x44: {  	[sflag:s0] =	ssyncadd.tile.s32 @!p0 $0x1;
	_ =	shalt  }
.Lfunc_end2:
_tile_overlayer_lowered:
.L_overlay_start_2:
0x45: {  	(tag) =	ssettag $0x2  }
0x46: {  	s0 =	rddreg [dreg:$0x0];
	s2 =	stileid.u32  }
0x47: {  	s1 =	rddreg [dreg:$0x1];
	p0 =	sne.s32 s2, $0x0  }
0x48: {  	s3 =	rddreg [dreg:$0x2];
	[bflag:$0x3] =	sbarrier.arrive $0xFFFF;
	s2 =	simm.s32 @!p0 $0x1C01  }
0x49: {  	[timem:s3], [sflag:s2] =	dma.local @!p0 [hbm:s0], s1  }
0x4a: {  	s0 =	simm.s32 @!p0 $0x1  }
0x4b: {  	_ =	swait.ge @!p0 [sflag:s0], s1  }
0x4c: {  	s1 =	ssub.s32 @!p0 $0x0, s1;
	[sflag:s0] =	ssyncset.done @!p0 $0x0  }
0x4d: {  	[sflag:s0] =	ssyncadd.s32 @!p0 s1  }
0x4e: {  	[bflag:$0x3] =	sbarrier.arrive $0xFFFF  }
0x4f: {  	_ =	shalt  }

</sc_bundles>
